<compile_context>
chip_gen: v7x
topology: tpu7x:2x2x1
jax: 0.10.2.dev20260603
libtpu: 0.0.44.dev20260713+nightly
codegen_flags: <defaults>
</compile_context>

<pallas_src>
import jax
import jax.numpy as jnp
from jax import lax
from jax.experimental import pallas as pl
from jax.experimental.pallas import tpu as pltpu
from jax.experimental.pallas import tpu_sc as plsc

E = 64
TOPK = 2
D = 1024
F = 1024
T = 64

_HI = lax.Precision.HIGHEST


def _logits_kernel(hid_ref, rw_ref, log_ref):
    log_ref[...] = lax.dot_general(
        hid_ref[...], rw_ref[...], (((1,), (1,)), ((), ())),
        preferred_element_type=jnp.float32)


def _route_sc_body(log_hbm, gsched_hbm, sched_hbm, nact_hbm,
                   lg_v, gsched_v, cnt_v, pos_v, sched_v, nact_v,
                   sem_in, sem_s, sem_n):
    c = lax.axis_index("c")
    s = lax.axis_index("s")

    @pl.when((c == 0) & (s == 0))
    def _():
        cp_in = pltpu.async_copy(log_hbm, lg_v, sem_in)
        zero16 = jnp.zeros((16,), jnp.float32)
        iota16 = lax.iota(jnp.int32, 16)
        ones16 = jnp.ones((16,), jnp.float32)
        for k in range(4):
            cnt_v[pl.ds(16 * k, 16)] = zero16

        def zrow(t, carry):
            for k in range(4):
                gsched_v[t, pl.ds(16 * k, 16)] = zero16
            return carry
        lax.fori_loop(0, T, zrow, 0)
        cp_in.wait()

        neg = jnp.full((16,), -jnp.inf, jnp.float32)
        zi = jnp.zeros((16,), jnp.int32)
        tokv = [iota16 + 16 * b for b in range(4)]

        def body(e, carry):
            ev = zi + e
            out = []
            for b in range(4):
                m1, i1, m2, i2 = carry[b]
                lv = plsc.load_gather(lg_v, [tokv[b], ev])
                gt1 = lv > m1
                gt2 = lv > m2
                m2n = jnp.where(gt1, m1, jnp.where(gt2, lv, m2))
                i2n = jnp.where(gt1, i1, jnp.where(gt2, ev, i2))
                m1n = jnp.where(gt1, lv, m1)
                i1n = jnp.where(gt1, ev, i1)
                out.append((m1n, i1n, m2n, i2n))
            return tuple(out)

        init = tuple((neg, zi, neg, zi) for _ in range(4))
        res = lax.fori_loop(0, E, body, init)

        gw = []
        for b in range(4):
            m1, i1, m2, i2 = res[b]
            e2 = jnp.exp(m2 - m1)
            w1 = 1.0 / (1.0 + e2)
            w2 = e2 / (1.0 + e2)
            gw.append((i1, i2, w1, w2))
            plsc.store_scatter(cnt_v, [i1], ones16)
            plsc.store_scatter(cnt_v, [i2], ones16)

        carry = jnp.float32(0.0)
        for k in range(4):
            cv = cnt_v[pl.ds(16 * k, 16)]
            av = (cv > 0.0).astype(jnp.float32)
            incl = plsc.cumsum(av)
            excl = incl - av + carry
            posk = excl.astype(jnp.int32)
            pos_v[pl.ds(16 * k, 16)] = posk
            plsc.store_scatter(sched_v, [posk], iota16 + 16 * k,
                               mask=cv > 0.0)
            carry = carry + jnp.sum(av)
        nact_v[pl.ds(0, 16)] = zi + carry.astype(jnp.int32)
        cp_s = pltpu.async_copy(sched_v, sched_hbm, sem_s)
        cp_n = pltpu.async_copy(nact_v, nact_hbm, sem_n)

        for b in range(4):
            i1, i2, w1, w2 = gw[b]
            j1 = plsc.load_gather(pos_v, [i1])
            j2 = plsc.load_gather(pos_v, [i2])
            tok = tokv[b]
            plsc.store_scatter(gsched_v, [tok, j1], w1)
            plsc.store_scatter(gsched_v, [tok, j2], w2)

        pltpu.sync_copy(gsched_v, gsched_hbm)
        cp_s.wait()
        cp_n.wait()


def _route_sc(logits):
    return pl.kernel(
        _route_sc_body,
        out_type=[
            jax.ShapeDtypeStruct((T, E), jnp.float32),
            jax.ShapeDtypeStruct((E,), jnp.int32),
            jax.ShapeDtypeStruct((16,), jnp.int32),
        ],
        mesh=plsc.VectorSubcoreMesh(core_axis_name="c",
                                    subcore_axis_name="s"),
        compiler_params=pltpu.CompilerParams(needs_layout_passes=False),
        scratch_types=[
            pltpu.VMEM((T, E), jnp.float32),
            pltpu.VMEM((T, E), jnp.float32),
            pltpu.VMEM((E,), jnp.float32),
            pltpu.VMEM((E,), jnp.int32),
            pltpu.VMEM((E,), jnp.int32),
            pltpu.VMEM((16,), jnp.int32),
            pltpu.SemaphoreType.DMA,
            pltpu.SemaphoreType.DMA,
            pltpu.SemaphoreType.DMA,
        ],
    )(logits)


def _moe_kernel(sched_sref, nact_sref, hid_ref, w13_ref, w2_ref, gsched_ref,
                out_ref):
    i = pl.program_id(0)

    @pl.when(i == 0)
    def _init():
        out_ref[...] = jnp.zeros_like(out_ref)

    @pl.when(i < nact_sref[0])
    def _compute():
        hid = hid_ref[...]
        h = lax.dot_general(hid, w13_ref[0], (((1,), (1,)), ((), ())),
                            preferred_element_type=jnp.float32)
        gatep = h[:, :F]
        up = h[:, F:]
        act = gatep * (1.0 / (1.0 + jnp.exp(-gatep))) * up
        y = lax.dot_general(act, w2_ref[0], (((1,), (1,)), ((), ())),
                            preferred_element_type=jnp.float32)
        onehot = (lax.broadcasted_iota(jnp.int32, (E, 1), 0) == i
                  ).astype(jnp.float32)
        g = lax.dot_general(gsched_ref[...], onehot,
                            (((1,), (0,)), ((), ())),
                            preferred_element_type=jnp.float32,
                            precision=_HI)
        out_ref[...] += y * g


def kernel(hidden_states, router_weight, w13, w2):
    logits = pl.pallas_call(
        _logits_kernel,
        out_shape=jax.ShapeDtypeStruct((T, E), jnp.float32),
    )(hidden_states, router_weight)

    gsched, sched, nact16 = _route_sc(logits)

    def _wsel(i, s, n):
        return (s[jnp.minimum(i, n[0] - 1)], 0, 0)

    grid_spec = pltpu.PrefetchScalarGridSpec(
        num_scalar_prefetch=2,
        grid=(E,),
        in_specs=[
            pl.BlockSpec((T, D), lambda i, s, n: (0, 0)),
            pl.BlockSpec((1, 2 * F, D), _wsel),
            pl.BlockSpec((1, D, F), _wsel),
            pl.BlockSpec((T, E), lambda i, s, n: (0, 0)),
        ],
        out_specs=pl.BlockSpec((T, D), lambda i, s, n: (0, 0)),
    )
    return pl.pallas_call(
        _moe_kernel,
        grid_spec=grid_spec,
        out_shape=jax.ShapeDtypeStruct((T, D), jnp.float32),
        compiler_params=pltpu.CompilerParams(
            dimension_semantics=("arbitrary",)),
    )(sched, nact16, hidden_states, w13, w2, gsched)

# --- scband reference (transcript-rebuilt; emitter-appended) ---
"""Pipeline reference for scband-fused-mo-e-68693706932626 (READ-ONLY COPY).

The authoritative reference and input builder live on the scoring server;
editing this copy changes nothing except your own understanding.
"""

import jax, jax.numpy as jnp
import numpy as np

E = 64
TOPK = 2
D = 1024
F = 1024
T = 64


def setup_inputs(seed: int = 0) -> dict:
    key = jax.random.key(seed)
    k1, k2, k3, k4 = jax.random.split(key, 4)
    hidden_states = jax.random.normal(k1, (T, D), dtype=jnp.float32)
    router_weight = jax.random.normal(k2, (E, D), dtype=jnp.float32) * 0.02
    w13 = jax.random.normal(k3, (E, 2 * F, D), dtype=jnp.float32) * 0.02
    w2 = jax.random.normal(k4, (E, D, F), dtype=jnp.float32) * 0.02
    return {
        "hidden_states": hidden_states,
        "router_weight": router_weight,
        "w13": w13,
        "w2": w2,
    }


def reference(hidden_states, router_weight, w13, w2):
    # Router: softmax scoring + top-k + renormalize (norm_topk_prob=True)
    logits = hidden_states @ router_weight.T  # [T, E]
    probs = jax.nn.softmax(logits, axis=-1)
    topk_w, topk_ids = jax.lax.top_k(probs, TOPK)  # [T, k]
    topk_w = topk_w / jnp.sum(topk_w, axis=-1, keepdims=True)
    n_tok = hidden_states.shape[0]
    # Scatter top-k weights into a dense [T, E] combine matrix
    gates = jnp.zeros((n_tok, E), dtype=hidden_states.dtype)
    gates = gates.at[jnp.arange(n_tok)[:, None], topk_ids].add(topk_w)
    # Expert GEMMs: w13 fused gate/up projection + SiluAndMul + w2 down projection
    out = jnp.zeros_like(hidden_states)
    for e in range(E):
        h = hidden_states @ w13[e].T  # [T, 2F]
        gate_part = h[:, :F]
        up_part = h[:, F:]
        act = jax.nn.silu(gate_part) * up_part  # SiluAndMul
        out = out + gates[:, e:e + 1] * (act @ w2[e].T)
    return out

if __name__ == "__main__":
    import jax
    _d = setup_inputs()
    print(jax.jit(kernel)(*tuple(_d.values())))

</pallas_src>

<mosaic_0001>
#map = affine_map<(d0, d1) -> (0, 0)>
#map1 = affine_map<(d0, d1) -> (0)>
module attributes {stable_mosaic.version = 14 : i64} {
  func.func @_route_sc_body(%arg0: i32, %arg1: i32, %arg2: memref<64x64xf32, #tpu.memory_space<hbm>>, %arg3: memref<64x64xf32, #tpu.memory_space<hbm>>, %arg4: memref<64xi32, #tpu.memory_space<hbm>>, %arg5: memref<16xi32, #tpu.memory_space<hbm>>, %arg6: memref<64x64xf32, #tpu.memory_space<vmem>>, %arg7: memref<64x64xf32, #tpu.memory_space<vmem>>, %arg8: memref<64xf32, #tpu.memory_space<vmem>>, %arg9: memref<64xi32, #tpu.memory_space<vmem>>, %arg10: memref<64xi32, #tpu.memory_space<vmem>>, %arg11: memref<16xi32, #tpu.memory_space<vmem>>, %arg12: memref<!tpu.dma_semaphore, #tpu.memory_space<semaphore_mem>>, %arg13: memref<!tpu.dma_semaphore, #tpu.memory_space<semaphore_mem>>, %arg14: memref<!tpu.dma_semaphore, #tpu.memory_space<semaphore_mem>>) attributes {dimension_semantics = [#tpu.dimension_semantics<core_parallel>, #tpu.dimension_semantics<subcore_parallel>], iteration_bounds = array<i64: 2, 16>, scalar_prefetch = 0 : i64, scratch_operands = 9 : i64, tpu.core_type = #tpu.core_type<sc_vector_subcore>, window_params = [{transform_indices = #map}, {transform_indices = #map}, {transform_indices = #map1}, {transform_indices = #map1}]} {
    %eq3A = arith.constant 0 : i32
    %eq3A_0 = arith.cmpi eq, %arg0, %eq3A : i32
    %eq3A_1 = arith.constant 0 : i32
    %eq3A_2 = arith.cmpi eq, %arg1, %eq3A_1 : i32
    %and3A = arith.andi %eq3A_0, %eq3A_2 : i1
    %convert_element_type3A = arith.extui %and3A : i1 to i32
    %cond3A = arith.constant 0 : i32
    %cond3A_3 = arith.cmpi ne, %convert_element_type3A, %cond3A : i32
    scf.if %cond3A_3 {
      tpu.enqueue_dma source(%arg2 : memref<64x64xf32, #tpu.memory_space<hbm>>) target(%arg6 : memref<64x64xf32, #tpu.memory_space<vmem>>) target_semaphore(%arg12 : memref<!tpu.dma_semaphore, #tpu.memory_space<semaphore_mem>>)
      %broadcast_in_dim3A = arith.constant 0.000000e+00 : f32
      %broadcast_in_dim3A_4 = vector.broadcast %broadcast_in_dim3A : f32 to vector<16xf32>
      %iota3A = tpu.iota {dimensions = array<i32: 0>} : vector<16xi32>
      %broadcast_in_dim3A_5 = arith.constant 1.000000e+00 : f32
      %broadcast_in_dim3A_6 = vector.broadcast %broadcast_in_dim3A_5 : f32 to vector<16xf32>
      %swap3A = arith.constant 0 : index
      %swap3A_7 = tpu.vector_load %arg8[%swap3A] {strides = array<i32>} : memref<64xf32, #tpu.memory_space<vmem>>, vector<16xf32>,
      tpu.vector_store %arg8[%swap3A], %broadcast_in_dim3A_4 {strides = array<i32>} : memref<64xf32, #tpu.memory_space<vmem>>, vector<16xf32>,
      %swap3A_8 = arith.constant 16 : index
      %swap3A_9 = tpu.vector_load %arg8[%swap3A_8] {strides = array<i32>} : memref<64xf32, #tpu.memory_space<vmem>>, vector<16xf32>,
      tpu.vector_store %arg8[%swap3A_8], %broadcast_in_dim3A_4 {strides = array<i32>} : memref<64xf32, #tpu.memory_space<vmem>>, vector<16xf32>,
      %swap3A_10 = arith.constant 32 : index
      %swap3A_11 = tpu.vector_load %arg8[%swap3A_10] {strides = array<i32>} : memref<64xf32, #tpu.memory_space<vmem>>, vector<16xf32>,
      tpu.vector_store %arg8[%swap3A_10], %broadcast_in_dim3A_4 {strides = array<i32>} : memref<64xf32, #tpu.memory_space<vmem>>, vector<16xf32>,
      %swap3A_12 = arith.constant 48 : index
      %swap3A_13 = tpu.vector_load %arg8[%swap3A_12] {strides = array<i32>} : memref<64xf32, #tpu.memory_space<vmem>>, vector<16xf32>,
      tpu.vector_store %arg8[%swap3A_12], %broadcast_in_dim3A_4 {strides = array<i32>} : memref<64xf32, #tpu.memory_space<vmem>>, vector<16xf32>,
      %scan3A = arith.constant 0 : i32
      %scan3A_14 = arith.constant 0 : i32
      %scan3A_15 = arith.constant 64 : i32
      %scan3A_16 = arith.addi %scan3A_14, %scan3A_15 : i32
      %scan3A_17 = arith.constant 1 : i32
      scf.for %scan3A_203 = %scan3A_14 to %scan3A_16 step %scan3A_17  : i32 {
        %swap3A_204 = arith.index_cast %scan3A_203 : i32 to index
        %swap3A_205 = arith.constant 0 : index
        %swap3A_206 = tpu.vector_load %arg7[%swap3A_204, %swap3A_205] {strides = array<i32>} : memref<64x64xf32, #tpu.memory_space<vmem>>, vector<16xf32>,
        tpu.vector_store %arg7[%swap3A_204, %swap3A_205], %broadcast_in_dim3A_4 {strides = array<i32>} : memref<64x64xf32, #tpu.memory_space<vmem>>, vector<16xf32>,
        %swap3A_207 = arith.index_cast %scan3A_203 : i32 to index
        %swap3A_208 = arith.constant 16 : index
        %swap3A_209 = tpu.vector_load %arg7[%swap3A_207, %swap3A_208] {strides = array<i32>} : memref<64x64xf32, #tpu.memory_space<vmem>>, vector<16xf32>,
        tpu.vector_store %arg7[%swap3A_207, %swap3A_208], %broadcast_in_dim3A_4 {strides = array<i32>} : memref<64x64xf32, #tpu.memory_space<vmem>>, vector<16xf32>,
        %swap3A_210 = arith.index_cast %scan3A_203 : i32 to index
        %swap3A_211 = arith.constant 32 : index
        %swap3A_212 = tpu.vector_load %arg7[%swap3A_210, %swap3A_211] {strides = array<i32>} : memref<64x64xf32, #tpu.memory_space<vmem>>, vector<16xf32>,
        tpu.vector_store %arg7[%swap3A_210, %swap3A_211], %broadcast_in_dim3A_4 {strides = array<i32>} : memref<64x64xf32, #tpu.memory_space<vmem>>, vector<16xf32>,
        %swap3A_213 = arith.index_cast %scan3A_203 : i32 to index
        %swap3A_214 = arith.constant 48 : index
        %swap3A_215 = tpu.vector_load %arg7[%swap3A_213, %swap3A_214] {strides = array<i32>} : memref<64x64xf32, #tpu.memory_space<vmem>>, vector<16xf32>,
        tpu.vector_store %arg7[%swap3A_213, %swap3A_214], %broadcast_in_dim3A_4 {strides = array<i32>} : memref<64x64xf32, #tpu.memory_space<vmem>>, vector<16xf32>,
      }
      %scan3A_18 = arith.constant 64 : i32
      tpu.wait_dma2 semaphore(%arg12 : memref<!tpu.dma_semaphore, #tpu.memory_space<semaphore_mem>>) src(%arg2 : memref<64x64xf32, #tpu.memory_space<hbm>>) dst(%arg6 : memref<64x64xf32, #tpu.memory_space<vmem>>)
      %broadcast_in_dim3A_19 = arith.constant 0xFF800000 : f32
      %broadcast_in_dim3A_20 = vector.broadcast %broadcast_in_dim3A_19 : f32 to vector<16xf32>
      %broadcast_in_dim3A_21 = arith.constant 0 : i32
      %broadcast_in_dim3A_22 = vector.broadcast %broadcast_in_dim3A_21 : i32 to vector<16xi32>
      %add3A = arith.constant 0 : i32
      %add3A_23 = vector.broadcast %add3A : i32 to vector<16xi32>
      %add3A_24 = arith.addi %iota3A, %add3A_23 : vector<16xi32>
      %add3A_25 = arith.constant 16 : i32
      %add3A_26 = vector.broadcast %add3A_25 : i32 to vector<16xi32>
      %add3A_27 = arith.addi %iota3A, %add3A_26 : vector<16xi32>
      %add3A_28 = arith.constant 32 : i32
      %add3A_29 = vector.broadcast %add3A_28 : i32 to vector<16xi32>
      %add3A_30 = arith.addi %iota3A, %add3A_29 : vector<16xi32>
      %add3A_31 = arith.constant 48 : i32
      %add3A_32 = vector.broadcast %add3A_31 : i32 to vector<16xi32>
      %add3A_33 = arith.addi %iota3A, %add3A_32 : vector<16xi32>
      %scan3A_34 = arith.constant 0 : i32
      %scan3A_35 = arith.constant 64 : i32
      %scan3A_36 = arith.addi %scan3A_34, %scan3A_35 : i32
      %scan3A_37 = arith.constant 1 : i32
      %scan3A_38:16 = scf.for %scan3A_203 = %scan3A_34 to %scan3A_36 step %scan3A_37 iter_args(%scan3A_204 = %broadcast_in_dim3A_20, %scan3A_205 = %broadcast_in_dim3A_22, %scan3A_206 = %broadcast_in_dim3A_20, %scan3A_207 = %broadcast_in_dim3A_22, %scan3A_208 = %broadcast_in_dim3A_20, %scan3A_209 = %broadcast_in_dim3A_22, %scan3A_210 = %broadcast_in_dim3A_20, %scan3A_211 = %broadcast_in_dim3A_22, %scan3A_212 = %broadcast_in_dim3A_20, %scan3A_213 = %broadcast_in_dim3A_22, %scan3A_214 = %broadcast_in_dim3A_20, %scan3A_215 = %broadcast_in_dim3A_22, %scan3A_216 = %broadcast_in_dim3A_20, %scan3A_217 = %broadcast_in_dim3A_22, %scan3A_218 = %broadcast_in_dim3A_20, %scan3A_219 = %broadcast_in_dim3A_22) -> (vector<16xf32>, vector<16xi32>, vector<16xf32>, vector<16xi32>, vector<16xf32>, vector<16xi32>, vector<16xf32>, vector<16xi32>, vector<16xf32>, vector<16xi32>, vector<16xf32>, vector<16xi32>, vector<16xf32>, vector<16xi32>, vector<16xf32>, vector<16xi32>)  : i32 {
        %add3A_220 = vector.broadcast %scan3A_203 : i32 to vector<16xi32>
        %add3A_221 = arith.addi %broadcast_in_dim3A_22, %add3A_220 : vector<16xi32>
        %gather3A_222 = tpu.vector_load_idx %arg6[%add3A_24, %add3A_221] : memref<64x64xf32, #tpu.memory_space<vmem>>[vector<16xi32>, vector<16xi32>], vector<16xf32>,
        %gt3A_223 = arith.cmpf ogt, %gather3A_222, %scan3A_204 : vector<16xf32>
        %gt3A_224 = arith.cmpf ogt, %gather3A_222, %scan3A_206 : vector<16xf32>
        %select_n3A = arith.select %gt3A_224, %gather3A_222, %scan3A_206 : vector<16xi1>, vector<16xf32>
        %select_n3A_225 = arith.select %gt3A_223, %scan3A_204, %select_n3A : vector<16xi1>, vector<16xf32>
        %select_n3A_226 = arith.select %gt3A_224, %add3A_221, %scan3A_207 : vector<16xi1>, vector<16xi32>
        %select_n3A_227 = arith.select %gt3A_223, %scan3A_205, %select_n3A_226 : vector<16xi1>, vector<16xi32>
        %select_n3A_228 = arith.select %gt3A_223, %gather3A_222, %scan3A_204 : vector<16xi1>, vector<16xf32>
        %select_n3A_229 = arith.select %gt3A_223, %add3A_221, %scan3A_205 : vector<16xi1>, vector<16xi32>
        %gather3A_230 = tpu.vector_load_idx %arg6[%add3A_27, %add3A_221] : memref<64x64xf32, #tpu.memory_space<vmem>>[vector<16xi32>, vector<16xi32>], vector<16xf32>,
        %gt3A_231 = arith.cmpf ogt, %gather3A_230, %scan3A_208 : vector<16xf32>
        %gt3A_232 = arith.cmpf ogt, %gather3A_230, %scan3A_210 : vector<16xf32>
        %select_n3A_233 = arith.select %gt3A_232, %gather3A_230, %scan3A_210 : vector<16xi1>, vector<16xf32>
        %select_n3A_234 = arith.select %gt3A_231, %scan3A_208, %select_n3A_233 : vector<16xi1>, vector<16xf32>
        %select_n3A_235 = arith.select %gt3A_232, %add3A_221, %scan3A_211 : vector<16xi1>, vector<16xi32>
        %select_n3A_236 = arith.select %gt3A_231, %scan3A_209, %select_n3A_235 : vector<16xi1>, vector<16xi32>
        %select_n3A_237 = arith.select %gt3A_231, %gather3A_230, %scan3A_208 : vector<16xi1>, vector<16xf32>
        %select_n3A_238 = arith.select %gt3A_231, %add3A_221, %scan3A_209 : vector<16xi1>, vector<16xi32>
        %gather3A_239 = tpu.vector_load_idx %arg6[%add3A_30, %add3A_221] : memref<64x64xf32, #tpu.memory_space<vmem>>[vector<16xi32>, vector<16xi32>], vector<16xf32>,
        %gt3A_240 = arith.cmpf ogt, %gather3A_239, %scan3A_212 : vector<16xf32>
        %gt3A_241 = arith.cmpf ogt, %gather3A_239, %scan3A_214 : vector<16xf32>
        %select_n3A_242 = arith.select %gt3A_241, %gather3A_239, %scan3A_214 : vector<16xi1>, vector<16xf32>
        %select_n3A_243 = arith.select %gt3A_240, %scan3A_212, %select_n3A_242 : vector<16xi1>, vector<16xf32>
        %select_n3A_244 = arith.select %gt3A_241, %add3A_221, %scan3A_215 : vector<16xi1>, vector<16xi32>
        %select_n3A_245 = arith.select %gt3A_240, %scan3A_213, %select_n3A_244 : vector<16xi1>, vector<16xi32>
        %select_n3A_246 = arith.select %gt3A_240, %gather3A_239, %scan3A_212 : vector<16xi1>, vector<16xf32>
        %select_n3A_247 = arith.select %gt3A_240, %add3A_221, %scan3A_213 : vector<16xi1>, vector<16xi32>
        %gather3A_248 = tpu.vector_load_idx %arg6[%add3A_33, %add3A_221] : memref<64x64xf32, #tpu.memory_space<vmem>>[vector<16xi32>, vector<16xi32>], vector<16xf32>,
        %gt3A_249 = arith.cmpf ogt, %gather3A_248, %scan3A_216 : vector<16xf32>
        %gt3A_250 = arith.cmpf ogt, %gather3A_248, %scan3A_218 : vector<16xf32>
        %select_n3A_251 = arith.select %gt3A_250, %gather3A_248, %scan3A_218 : vector<16xi1>, vector<16xf32>
        %select_n3A_252 = arith.select %gt3A_249, %scan3A_216, %select_n3A_251 : vector<16xi1>, vector<16xf32>
        %select_n3A_253 = arith.select %gt3A_250, %add3A_221, %scan3A_219 : vector<16xi1>, vector<16xi32>
        %select_n3A_254 = arith.select %gt3A_249, %scan3A_217, %select_n3A_253 : vector<16xi1>, vector<16xi32>
        %select_n3A_255 = arith.select %gt3A_249, %gather3A_248, %scan3A_216 : vector<16xi1>, vector<16xf32>
        %select_n3A_256 = arith.select %gt3A_249, %add3A_221, %scan3A_217 : vector<16xi1>, vector<16xi32>
        scf.yield %select_n3A_228, %select_n3A_229, %select_n3A_225, %select_n3A_227, %select_n3A_237, %select_n3A_238, %select_n3A_234, %select_n3A_236, %select_n3A_246, %select_n3A_247, %select_n3A_243, %select_n3A_245, %select_n3A_255, %select_n3A_256, %select_n3A_252, %select_n3A_254 : vector<16xf32>, vector<16xi32>, vector<16xf32>, vector<16xi32>, vector<16xf32>, vector<16xi32>, vector<16xf32>, vector<16xi32>, vector<16xf32>, vector<16xi32>, vector<16xf32>, vector<16xi32>, vector<16xf32>, vector<16xi32>, vector<16xf32>, vector<16xi32>
      }
      %scan3A_39 = arith.constant 64 : i32
      %sub3A = arith.subf %scan3A_38#2, %scan3A_38#0 : vector<16xf32>
      %exp3A = math.exp %sub3A : vector<16xf32>
      %add3A_40 = arith.constant 1.000000e+00 : f32
      %add3A_41 = vector.broadcast %add3A_40 : f32 to vector<16xf32>
      %add3A_42 = arith.addf %add3A_41, %exp3A : vector<16xf32>
      %div3A = arith.constant 1.000000e+00 : f32
      %div3A_43 = vector.broadcast %div3A : f32 to vector<16xf32>
      %div3A_44 = arith.divf %div3A_43, %add3A_42 : vector<16xf32>
      %add3A_45 = arith.constant 1.000000e+00 : f32
      %add3A_46 = vector.broadcast %add3A_45 : f32 to vector<16xf32>
      %add3A_47 = arith.addf %add3A_46, %exp3A : vector<16xf32>
      %div3A_48 = arith.divf %exp3A, %add3A_47 : vector<16xf32>
      tpu.vector_store_idx %arg8[%scan3A_38#1], %broadcast_in_dim3A_6 : memref<64xf32, #tpu.memory_space<vmem>>[vector<16xi32>], vector<16xf32>,
      tpu.vector_store_idx %arg8[%scan3A_38#3], %broadcast_in_dim3A_6 : memref<64xf32, #tpu.memory_space<vmem>>[vector<16xi32>], vector<16xf32>,
      %sub3A_49 = arith.subf %scan3A_38#6, %scan3A_38#4 : vector<16xf32>
      %exp3A_50 = math.exp %sub3A_49 : vector<16xf32>
      %add3A_51 = arith.constant 1.000000e+00 : f32
      %add3A_52 = vector.broadcast %add3A_51 : f32 to vector<16xf32>
      %add3A_53 = arith.addf %add3A_52, %exp3A_50 : vector<16xf32>
      %div3A_54 = arith.constant 1.000000e+00 : f32
      %div3A_55 = vector.broadcast %div3A_54 : f32 to vector<16xf32>
      %div3A_56 = arith.divf %div3A_55, %add3A_53 : vector<16xf32>
      %add3A_57 = arith.constant 1.000000e+00 : f32
      %add3A_58 = vector.broadcast %add3A_57 : f32 to vector<16xf32>
      %add3A_59 = arith.addf %add3A_58, %exp3A_50 : vector<16xf32>
      %div3A_60 = arith.divf %exp3A_50, %add3A_59 : vector<16xf32>
      tpu.vector_store_idx %arg8[%scan3A_38#5], %broadcast_in_dim3A_6 : memref<64xf32, #tpu.memory_space<vmem>>[vector<16xi32>], vector<16xf32>,
      tpu.vector_store_idx %arg8[%scan3A_38#7], %broadcast_in_dim3A_6 : memref<64xf32, #tpu.memory_space<vmem>>[vector<16xi32>], vector<16xf32>,
      %sub3A_61 = arith.subf %scan3A_38#10, %scan3A_38#8 : vector<16xf32>
      %exp3A_62 = math.exp %sub3A_61 : vector<16xf32>
      %add3A_63 = arith.constant 1.000000e+00 : f32
      %add3A_64 = vector.broadcast %add3A_63 : f32 to vector<16xf32>
      %add3A_65 = arith.addf %add3A_64, %exp3A_62 : vector<16xf32>
      %div3A_66 = arith.constant 1.000000e+00 : f32
      %div3A_67 = vector.broadcast %div3A_66 : f32 to vector<16xf32>
      %div3A_68 = arith.divf %div3A_67, %add3A_65 : vector<16xf32>
      %add3A_69 = arith.constant 1.000000e+00 : f32
      %add3A_70 = vector.broadcast %add3A_69 : f32 to vector<16xf32>
      %add3A_71 = arith.addf %add3A_70, %exp3A_62 : vector<16xf32>
      %div3A_72 = arith.divf %exp3A_62, %add3A_71 : vector<16xf32>
      tpu.vector_store_idx %arg8[%scan3A_38#9], %broadcast_in_dim3A_6 : memref<64xf32, #tpu.memory_space<vmem>>[vector<16xi32>], vector<16xf32>,
      tpu.vector_store_idx %arg8[%scan3A_38#11], %broadcast_in_dim3A_6 : memref<64xf32, #tpu.memory_space<vmem>>[vector<16xi32>], vector<16xf32>,
      %sub3A_73 = arith.subf %scan3A_38#14, %scan3A_38#12 : vector<16xf32>
      %exp3A_74 = math.exp %sub3A_73 : vector<16xf32>
      %add3A_75 = arith.constant 1.000000e+00 : f32
      %add3A_76 = vector.broadcast %add3A_75 : f32 to vector<16xf32>
      %add3A_77 = arith.addf %add3A_76, %exp3A_74 : vector<16xf32>
      %div3A_78 = arith.constant 1.000000e+00 : f32
      %div3A_79 = vector.broadcast %div3A_78 : f32 to vector<16xf32>
      %div3A_80 = arith.divf %div3A_79, %add3A_77 : vector<16xf32>
      %add3A_81 = arith.constant 1.000000e+00 : f32
      %add3A_82 = vector.broadcast %add3A_81 : f32 to vector<16xf32>
      %add3A_83 = arith.addf %add3A_82, %exp3A_74 : vector<16xf32>
      %div3A_84 = arith.divf %exp3A_74, %add3A_83 : vector<16xf32>
      tpu.vector_store_idx %arg8[%scan3A_38#13], %broadcast_in_dim3A_6 : memref<64xf32, #tpu.memory_space<vmem>>[vector<16xi32>], vector<16xf32>,
      tpu.vector_store_idx %arg8[%scan3A_38#15], %broadcast_in_dim3A_6 : memref<64xf32, #tpu.memory_space<vmem>>[vector<16xi32>], vector<16xf32>,
      %get3A = arith.constant 0 : index
      %get3A_85 = tpu.vector_load %arg8[%get3A] {strides = array<i32>} : memref<64xf32, #tpu.memory_space<vmem>>, vector<16xf32>,
      %gt3A = arith.constant 0.000000e+00 : f32
      %gt3A_86 = vector.broadcast %gt3A : f32 to vector<16xf32>
      %gt3A_87 = arith.cmpf ogt, %get3A_85, %gt3A_86 : vector<16xf32>
      %convert_element_type3A_88 = arith.extui %gt3A_87 : vector<16xi1> to vector<16xi32>
      %convert_element_type3A_89 = arith.sitofp %convert_element_type3A_88 : vector<16xi32> to vector<16xf32>
      %broadcast_in_dim3A_90 = arith.constant true
      %broadcast_in_dim3A_91 = vector.broadcast %broadcast_in_dim3A_90 : i1 to vector<16xi1>
      %masked_cumsum3A = tpu.scan <sum>, %convert_element_type3A_89 masked %broadcast_in_dim3A_91 : vector<16xf32>, vector<16xi1> -> vector<16xf32>
      %sub3A_92 = arith.subf %masked_cumsum3A, %convert_element_type3A_89 : vector<16xf32>
      %add3A_93 = arith.constant 0.000000e+00 : f32
      %add3A_94 = vector.broadcast %add3A_93 : f32 to vector<16xf32>
      %add3A_95 = arith.addf %sub3A_92, %add3A_94 : vector<16xf32>
      %convert_element_type3A_96 = arith.fptosi %add3A_95 : vector<16xf32> to vector<16xi32>
      %swap3A_97 = arith.constant 0 : index
      %swap3A_98 = tpu.vector_load %arg9[%swap3A_97] {strides = array<i32>} : memref<64xi32, #tpu.memory_space<vmem>>, vector<16xi32>,
      tpu.vector_store %arg9[%swap3A_97], %convert_element_type3A_96 {strides = array<i32>} : memref<64xi32, #tpu.memory_space<vmem>>, vector<16xi32>,
      %add3A_99 = arith.constant 0 : i32
      %add3A_100 = vector.broadcast %add3A_99 : i32 to vector<16xi32>
      %add3A_101 = arith.addi %iota3A, %add3A_100 : vector<16xi32>
      %gt3A_102 = arith.constant 0.000000e+00 : f32
      %gt3A_103 = vector.broadcast %gt3A_102 : f32 to vector<16xf32>
      %gt3A_104 = arith.cmpf ogt, %get3A_85, %gt3A_103 : vector<16xf32>
      tpu.vector_store_idx %arg10[%convert_element_type3A_96], %add3A_101 masked %gt3A_104 : memref<64xi32, #tpu.memory_space<vmem>>[vector<16xi32>], vector<16xi32>, vector<16xi1>
      %reduce_sum3A = arith.constant true
      %reduce_sum3A_105 = vector.broadcast %reduce_sum3A : i1 to vector<16xi1>
      %reduce_sum3A_106 = tpu.scan <sum>, %convert_element_type3A_89 masked %reduce_sum3A_105 : vector<16xf32>, vector<16xi1> -> vector<16xf32>
      %reduce_sum3A_107 = vector.extract %reduce_sum3A_106[15] : f32 from vector<16xf32>
      %add3A_108 = arith.constant 0.000000e+00 : f32
      %add3A_109 = arith.addf %add3A_108, %reduce_sum3A_107 : f32
      %get3A_110 = arith.constant 16 : index
      %get3A_111 = tpu.vector_load %arg8[%get3A_110] {strides = array<i32>} : memref<64xf32, #tpu.memory_space<vmem>>, vector<16xf32>,
      %gt3A_112 = arith.constant 0.000000e+00 : f32
      %gt3A_113 = vector.broadcast %gt3A_112 : f32 to vector<16xf32>
      %gt3A_114 = arith.cmpf ogt, %get3A_111, %gt3A_113 : vector<16xf32>
      %convert_element_type3A_115 = arith.extui %gt3A_114 : vector<16xi1> to vector<16xi32>
      %convert_element_type3A_116 = arith.sitofp %convert_element_type3A_115 : vector<16xi32> to vector<16xf32>
      %broadcast_in_dim3A_117 = arith.constant true
      %broadcast_in_dim3A_118 = vector.broadcast %broadcast_in_dim3A_117 : i1 to vector<16xi1>
      %masked_cumsum3A_119 = tpu.scan <sum>, %convert_element_type3A_116 masked %broadcast_in_dim3A_118 : vector<16xf32>, vector<16xi1> -> vector<16xf32>
      %sub3A_120 = arith.subf %masked_cumsum3A_119, %convert_element_type3A_116 : vector<16xf32>
      %add3A_121 = vector.broadcast %add3A_109 : f32 to vector<16xf32>
      %add3A_122 = arith.addf %sub3A_120, %add3A_121 : vector<16xf32>
      %convert_element_type3A_123 = arith.fptosi %add3A_122 : vector<16xf32> to vector<16xi32>
      %swap3A_124 = arith.constant 16 : index
      %swap3A_125 = tpu.vector_load %arg9[%swap3A_124] {strides = array<i32>} : memref<64xi32, #tpu.memory_space<vmem>>, vector<16xi32>,
      tpu.vector_store %arg9[%swap3A_124], %convert_element_type3A_123 {strides = array<i32>} : memref<64xi32, #tpu.memory_space<vmem>>, vector<16xi32>,
      %add3A_126 = arith.constant 16 : i32
      %add3A_127 = vector.broadcast %add3A_126 : i32 to vector<16xi32>
      %add3A_128 = arith.addi %iota3A, %add3A_127 : vector<16xi32>
      %gt3A_129 = arith.constant 0.000000e+00 : f32
      %gt3A_130 = vector.broadcast %gt3A_129 : f32 to vector<16xf32>
      %gt3A_131 = arith.cmpf ogt, %get3A_111, %gt3A_130 : vector<16xf32>
      tpu.vector_store_idx %arg10[%convert_element_type3A_123], %add3A_128 masked %gt3A_131 : memref<64xi32, #tpu.memory_space<vmem>>[vector<16xi32>], vector<16xi32>, vector<16xi1>
      %reduce_sum3A_132 = arith.constant true
      %reduce_sum3A_133 = vector.broadcast %reduce_sum3A_132 : i1 to vector<16xi1>
      %reduce_sum3A_134 = tpu.scan <sum>, %convert_element_type3A_116 masked %reduce_sum3A_133 : vector<16xf32>, vector<16xi1> -> vector<16xf32>
      %reduce_sum3A_135 = vector.extract %reduce_sum3A_134[15] : f32 from vector<16xf32>
      %add3A_136 = arith.addf %add3A_109, %reduce_sum3A_135 : f32
      %get3A_137 = arith.constant 32 : index
      %get3A_138 = tpu.vector_load %arg8[%get3A_137] {strides = array<i32>} : memref<64xf32, #tpu.memory_space<vmem>>, vector<16xf32>,
      %gt3A_139 = arith.constant 0.000000e+00 : f32
      %gt3A_140 = vector.broadcast %gt3A_139 : f32 to vector<16xf32>
      %gt3A_141 = arith.cmpf ogt, %get3A_138, %gt3A_140 : vector<16xf32>
      %convert_element_type3A_142 = arith.extui %gt3A_141 : vector<16xi1> to vector<16xi32>
      %convert_element_type3A_143 = arith.sitofp %convert_element_type3A_142 : vector<16xi32> to vector<16xf32>
      %broadcast_in_dim3A_144 = arith.constant true
      %broadcast_in_dim3A_145 = vector.broadcast %broadcast_in_dim3A_144 : i1 to vector<16xi1>
      %masked_cumsum3A_146 = tpu.scan <sum>, %convert_element_type3A_143 masked %broadcast_in_dim3A_145 : vector<16xf32>, vector<16xi1> -> vector<16xf32>
      %sub3A_147 = arith.subf %masked_cumsum3A_146, %convert_element_type3A_143 : vector<16xf32>
      %add3A_148 = vector.broadcast %add3A_136 : f32 to vector<16xf32>
      %add3A_149 = arith.addf %sub3A_147, %add3A_148 : vector<16xf32>
      %convert_element_type3A_150 = arith.fptosi %add3A_149 : vector<16xf32> to vector<16xi32>
      %swap3A_151 = arith.constant 32 : index
      %swap3A_152 = tpu.vector_load %arg9[%swap3A_151] {strides = array<i32>} : memref<64xi32, #tpu.memory_space<vmem>>, vector<16xi32>,
      tpu.vector_store %arg9[%swap3A_151], %convert_element_type3A_150 {strides = array<i32>} : memref<64xi32, #tpu.memory_space<vmem>>, vector<16xi32>,
      %add3A_153 = arith.constant 32 : i32
      %add3A_154 = vector.broadcast %add3A_153 : i32 to vector<16xi32>
      %add3A_155 = arith.addi %iota3A, %add3A_154 : vector<16xi32>
      %gt3A_156 = arith.constant 0.000000e+00 : f32
      %gt3A_157 = vector.broadcast %gt3A_156 : f32 to vector<16xf32>
      %gt3A_158 = arith.cmpf ogt, %get3A_138, %gt3A_157 : vector<16xf32>
      tpu.vector_store_idx %arg10[%convert_element_type3A_150], %add3A_155 masked %gt3A_158 : memref<64xi32, #tpu.memory_space<vmem>>[vector<16xi32>], vector<16xi32>, vector<16xi1>
      %reduce_sum3A_159 = arith.constant true
      %reduce_sum3A_160 = vector.broadcast %reduce_sum3A_159 : i1 to vector<16xi1>
      %reduce_sum3A_161 = tpu.scan <sum>, %convert_element_type3A_143 masked %reduce_sum3A_160 : vector<16xf32>, vector<16xi1> -> vector<16xf32>
      %reduce_sum3A_162 = vector.extract %reduce_sum3A_161[15] : f32 from vector<16xf32>
      %add3A_163 = arith.addf %add3A_136, %reduce_sum3A_162 : f32
      %get3A_164 = arith.constant 48 : index
      %get3A_165 = tpu.vector_load %arg8[%get3A_164] {strides = array<i32>} : memref<64xf32, #tpu.memory_space<vmem>>, vector<16xf32>,
      %gt3A_166 = arith.constant 0.000000e+00 : f32
      %gt3A_167 = vector.broadcast %gt3A_166 : f32 to vector<16xf32>
      %gt3A_168 = arith.cmpf ogt, %get3A_165, %gt3A_167 : vector<16xf32>
      %convert_element_type3A_169 = arith.extui %gt3A_168 : vector<16xi1> to vector<16xi32>
      %convert_element_type3A_170 = arith.sitofp %convert_element_type3A_169 : vector<16xi32> to vector<16xf32>
      %broadcast_in_dim3A_171 = arith.constant true
      %broadcast_in_dim3A_172 = vector.broadcast %broadcast_in_dim3A_171 : i1 to vector<16xi1>
      %masked_cumsum3A_173 = tpu.scan <sum>, %convert_element_type3A_170 masked %broadcast_in_dim3A_172 : vector<16xf32>, vector<16xi1> -> vector<16xf32>
      %sub3A_174 = arith.subf %masked_cumsum3A_173, %convert_element_type3A_170 : vector<16xf32>
      %add3A_175 = vector.broadcast %add3A_163 : f32 to vector<16xf32>
      %add3A_176 = arith.addf %sub3A_174, %add3A_175 : vector<16xf32>
      %convert_element_type3A_177 = arith.fptosi %add3A_176 : vector<16xf32> to vector<16xi32>
      %swap3A_178 = arith.constant 48 : index
      %swap3A_179 = tpu.vector_load %arg9[%swap3A_178] {strides = array<i32>} : memref<64xi32, #tpu.memory_space<vmem>>, vector<16xi32>,
      tpu.vector_store %arg9[%swap3A_178], %convert_element_type3A_177 {strides = array<i32>} : memref<64xi32, #tpu.memory_space<vmem>>, vector<16xi32>,
      %add3A_180 = arith.constant 48 : i32
      %add3A_181 = vector.broadcast %add3A_180 : i32 to vector<16xi32>
      %add3A_182 = arith.addi %iota3A, %add3A_181 : vector<16xi32>
      %gt3A_183 = arith.constant 0.000000e+00 : f32
      %gt3A_184 = vector.broadcast %gt3A_183 : f32 to vector<16xf32>
      %gt3A_185 = arith.cmpf ogt, %get3A_165, %gt3A_184 : vector<16xf32>
      tpu.vector_store_idx %arg10[%convert_element_type3A_177], %add3A_182 masked %gt3A_185 : memref<64xi32, #tpu.memory_space<vmem>>[vector<16xi32>], vector<16xi32>, vector<16xi1>
      %reduce_sum3A_186 = arith.constant true
      %reduce_sum3A_187 = vector.broadcast %reduce_sum3A_186 : i1 to vector<16xi1>
      %reduce_sum3A_188 = tpu.scan <sum>, %convert_element_type3A_170 masked %reduce_sum3A_187 : vector<16xf32>, vector<16xi1> -> vector<16xf32>
      %reduce_sum3A_189 = vector.extract %reduce_sum3A_188[15] : f32 from vector<16xf32>
      %add3A_190 = arith.addf %add3A_163, %reduce_sum3A_189 : f32
      %convert_element_type3A_191 = arith.fptosi %add3A_190 : f32 to i32
      %add3A_192 = vector.broadcast %convert_element_type3A_191 : i32 to vector<16xi32>
      %add3A_193 = arith.addi %broadcast_in_dim3A_22, %add3A_192 : vector<16xi32>
      %swap3A_194 = arith.constant 0 : index
      %swap3A_195 = tpu.vector_load %arg11[%swap3A_194] {strides = array<i32>} : memref<16xi32, #tpu.memory_space<vmem>>, vector<16xi32>,
      tpu.vector_store %arg11[%swap3A_194], %add3A_193 {strides = array<i32>} : memref<16xi32, #tpu.memory_space<vmem>>, vector<16xi32>,
      tpu.enqueue_dma source(%arg10 : memref<64xi32, #tpu.memory_space<vmem>>) target(%arg4 : memref<64xi32, #tpu.memory_space<hbm>>) target_semaphore(%arg13 : memref<!tpu.dma_semaphore, #tpu.memory_space<semaphore_mem>>)
      tpu.enqueue_dma source(%arg11 : memref<16xi32, #tpu.memory_space<vmem>>) target(%arg5 : memref<16xi32, #tpu.memory_space<hbm>>) target_semaphore(%arg14 : memref<!tpu.dma_semaphore, #tpu.memory_space<semaphore_mem>>)
      %gather3A = tpu.vector_load_idx %arg9[%scan3A_38#1] : memref<64xi32, #tpu.memory_space<vmem>>[vector<16xi32>], vector<16xi32>,
      %gather3A_196 = tpu.vector_load_idx %arg9[%scan3A_38#3] : memref<64xi32, #tpu.memory_space<vmem>>[vector<16xi32>], vector<16xi32>,
      tpu.vector_store_idx %arg7[%add3A_24, %gather3A], %div3A_44 : memref<64x64xf32, #tpu.memory_space<vmem>>[vector<16xi32>, vector<16xi32>], vector<16xf32>,
      tpu.vector_store_idx %arg7[%add3A_24, %gather3A_196], %div3A_48 : memref<64x64xf32, #tpu.memory_space<vmem>>[vector<16xi32>, vector<16xi32>], vector<16xf32>,
      %gather3A_197 = tpu.vector_load_idx %arg9[%scan3A_38#5] : memref<64xi32, #tpu.memory_space<vmem>>[vector<16xi32>], vector<16xi32>,
      %gather3A_198 = tpu.vector_load_idx %arg9[%scan3A_38#7] : memref<64xi32, #tpu.memory_space<vmem>>[vector<16xi32>], vector<16xi32>,
      tpu.vector_store_idx %arg7[%add3A_27, %gather3A_197], %div3A_56 : memref<64x64xf32, #tpu.memory_space<vmem>>[vector<16xi32>, vector<16xi32>], vector<16xf32>,
      tpu.vector_store_idx %arg7[%add3A_27, %gather3A_198], %div3A_60 : memref<64x64xf32, #tpu.memory_space<vmem>>[vector<16xi32>, vector<16xi32>], vector<16xf32>,
      %gather3A_199 = tpu.vector_load_idx %arg9[%scan3A_38#9] : memref<64xi32, #tpu.memory_space<vmem>>[vector<16xi32>], vector<16xi32>,
      %gather3A_200 = tpu.vector_load_idx %arg9[%scan3A_38#11] : memref<64xi32, #tpu.memory_space<vmem>>[vector<16xi32>], vector<16xi32>,
      tpu.vector_store_idx %arg7[%add3A_30, %gather3A_199], %div3A_68 : memref<64x64xf32, #tpu.memory_space<vmem>>[vector<16xi32>, vector<16xi32>], vector<16xf32>,
      tpu.vector_store_idx %arg7[%add3A_30, %gather3A_200], %div3A_72 : memref<64x64xf32, #tpu.memory_space<vmem>>[vector<16xi32>, vector<16xi32>], vector<16xf32>,
      %gather3A_201 = tpu.vector_load_idx %arg9[%scan3A_38#13] : memref<64xi32, #tpu.memory_space<vmem>>[vector<16xi32>], vector<16xi32>,
      %gather3A_202 = tpu.vector_load_idx %arg9[%scan3A_38#15] : memref<64xi32, #tpu.memory_space<vmem>>[vector<16xi32>], vector<16xi32>,
      tpu.vector_store_idx %arg7[%add3A_33, %gather3A_201], %div3A_80 : memref<64x64xf32, #tpu.memory_space<vmem>>[vector<16xi32>, vector<16xi32>], vector<16xf32>,
      tpu.vector_store_idx %arg7[%add3A_33, %gather3A_202], %div3A_84 : memref<64x64xf32, #tpu.memory_space<vmem>>[vector<16xi32>, vector<16xi32>], vector<16xf32>,
      "tpu.region"() ({
        %run_scoped3A = tpu.sem_alloc : memref<!tpu.dma_semaphore, #tpu.memory_space<semaphore_mem>>
        tpu.enqueue_dma source(%arg7 : memref<64x64xf32, #tpu.memory_space<vmem>>) target(%arg3 : memref<64x64xf32, #tpu.memory_space<hbm>>) target_semaphore(%run_scoped3A : memref<!tpu.dma_semaphore, #tpu.memory_space<semaphore_mem>>)
        tpu.wait_dma2 semaphore(%run_scoped3A : memref<!tpu.dma_semaphore, #tpu.memory_space<semaphore_mem>>) src(%arg7 : memref<64x64xf32, #tpu.memory_space<vmem>>) dst(%arg3 : memref<64x64xf32, #tpu.memory_space<hbm>>)
        tpu.yield
      }) : () -> ()
      tpu.wait_dma2 semaphore(%arg13 : memref<!tpu.dma_semaphore, #tpu.memory_space<semaphore_mem>>) src(%arg10 : memref<64xi32, #tpu.memory_space<vmem>>) dst(%arg4 : memref<64xi32, #tpu.memory_space<hbm>>)
      tpu.wait_dma2 semaphore(%arg14 : memref<!tpu.dma_semaphore, #tpu.memory_space<semaphore_mem>>) src(%arg11 : memref<16xi32, #tpu.memory_space<vmem>>) dst(%arg5 : memref<16xi32, #tpu.memory_space<hbm>>)
    } else {
    }
    return
  }
}

module attributes {stable_mosaic.version = 14 : i64} {
  func.func @_logits_kernel(%arg0: memref<64x1024xf32, #tpu.memory_space<vmem>>, %arg1: memref<64x1024xf32, #tpu.memory_space<vmem>>, %arg2: memref<64x64xf32, #tpu.memory_space<vmem>>) attributes {dimension_semantics = [], scalar_prefetch = 0 : i64, scratch_operands = 0 : i64, tpu.core_type = #tpu.core_type<tc>} {
    %get3A = arith.constant 0 : index
    %get3A_0 = arith.constant 0 : index
    %get3A_1 = vector.load %arg0[%get3A, %get3A_0] : memref<64x1024xf32, #tpu.memory_space<vmem>>, vector<64x1024xf32>
    %get3A_2 = arith.constant 0 : index
    %get3A_3 = arith.constant 0 : index
    %get3A_4 = vector.load %arg1[%get3A_2, %get3A_3] : memref<64x1024xf32, #tpu.memory_space<vmem>>, vector<64x1024xf32>
    %dot_general3A = arith.constant dense<0.000000e+00> : vector<64x64xf32>
    %dot_general3A_5 = tpu.matmul %get3A_1, %get3A_4, %dot_general3A {dimension_numbers = #tpu.dot_dimension_numbers<[1], [1], [0], [0], [0, 0, 1, 0], [], []>, transpose_lhs_hint = false} : vector<64x1024xf32>, vector<64x1024xf32>, vector<64x64xf32> -> vector<64x64xf32>
    %swap3A = arith.constant 0 : index
    %swap3A_6 = arith.constant 0 : index
    %swap3A_7 = vector.load %arg2[%swap3A, %swap3A_6] : memref<64x64xf32, #tpu.memory_space<vmem>>, vector<64x64xf32>
    tpu.vector_store %arg2[%swap3A, %swap3A_6], %dot_general3A_5 {strides = array<i32>} : memref<64x64xf32, #tpu.memory_space<vmem>>, vector<64x64xf32>,
    return
  }
}

module attributes {stable_mosaic.version = 14 : i64} {
  func.func @_moe_kernel(%arg0: i32, %arg1: memref<64xi32, #tpu.memory_space<smem>>, %arg2: memref<16xi32, #tpu.memory_space<smem>>, %arg3: memref<64x1024xf32, #tpu.memory_space<vmem>>, %arg4: memref<1x2048x1024xf32, #tpu.memory_space<vmem>>, %arg5: memref<1x1024x1024xf32, #tpu.memory_space<vmem>>, %arg6: memref<64x64xf32, #tpu.memory_space<vmem>>, %arg7: memref<64x1024xf32, #tpu.memory_space<vmem>>) attributes {dimension_semantics = [#tpu.dimension_semantics<arbitrary>], iteration_bounds = array<i64: 64>, scalar_prefetch = 2 : i64, scratch_operands = 0 : i64, tpu.core_type = #tpu.core_type<tc>, window_params = [{pipeline_mode = #tpu.pipeline_mode<synchronous>, transform_indices = @transform_0, window_bounds = array<i64: 64, 1024>}, {transform_indices = @transform_1, window_bounds = array<i64: 1, 2048, 1024>}, {transform_indices = @transform_2, window_bounds = array<i64: 1, 1024, 1024>}, {pipeline_mode = #tpu.pipeline_mode<synchronous>, transform_indices = @transform_3, window_bounds = array<i64: 64, 64>}, {pipeline_mode = #tpu.pipeline_mode<synchronous>, transform_indices = @transform_4, window_bounds = array<i64: 64, 1024>}]} {
    %eq3A = arith.constant 0 : i32
    %eq3A_0 = arith.cmpi eq, %arg0, %eq3A : i32
    %convert_element_type3A = arith.extui %eq3A_0 : i1 to i32
    %cond3A = arith.constant 0 : i32
    %cond3A_1 = arith.cmpi ne, %convert_element_type3A, %cond3A : i32
    scf.if %cond3A_1 {
      %broadcast_in_dim3A = arith.constant 0.000000e+00 : f32
      %broadcast_in_dim3A_6 = vector.broadcast %broadcast_in_dim3A : f32 to vector<64x1024xf32>
      %swap3A = arith.constant 0 : index
      %swap3A_7 = arith.constant 0 : index
      %swap3A_8 = vector.load %arg7[%swap3A, %swap3A_7] : memref<64x1024xf32, #tpu.memory_space<vmem>>, vector<64x1024xf32>
      tpu.vector_store %arg7[%swap3A, %swap3A_7], %broadcast_in_dim3A_6 {strides = array<i32>} : memref<64x1024xf32, #tpu.memory_space<vmem>>, vector<64x1024xf32>,
    } else {
    }
    %get3A = arith.constant 0 : index
    %get3A_2 = memref.load %arg2[%get3A] : memref<16xi32, #tpu.memory_space<smem>>
    %lt3A = arith.cmpi slt, %arg0, %get3A_2 : i32
    %convert_element_type3A_3 = arith.extui %lt3A : i1 to i32
    %cond3A_4 = arith.constant 0 : i32
    %cond3A_5 = arith.cmpi ne, %convert_element_type3A_3, %cond3A_4 : i32
    scf.if %cond3A_5 {
      %get3A_6 = arith.constant 0 : index
      %get3A_7 = arith.constant 0 : index
      %get3A_8 = vector.load %arg3[%get3A_6, %get3A_7] : memref<64x1024xf32, #tpu.memory_space<vmem>>, vector<64x1024xf32>
      %get3A_9 = arith.constant 0 : index
      %get3A_10 = arith.constant 0 : index
      %get3A_11 = arith.constant 0 : index
      %get3A_12 = vector.load %arg4[%get3A_9, %get3A_10, %get3A_11] : memref<1x2048x1024xf32, #tpu.memory_space<vmem>>, vector<1x2048x1024xf32>
      %get3A_13 = vector.shape_cast %get3A_12 : vector<1x2048x1024xf32> to vector<2048x1024xf32>
      %dot_general3A = arith.constant dense<0.000000e+00> : vector<64x2048xf32>
      %dot_general3A_14 = tpu.matmul %get3A_8, %get3A_13, %dot_general3A {dimension_numbers = #tpu.dot_dimension_numbers<[1], [1], [0], [0], [0, 0, 1, 0], [], []>, transpose_lhs_hint = false} : vector<64x1024xf32>, vector<2048x1024xf32>, vector<64x2048xf32> -> vector<64x2048xf32>
      %slice3A = vector.extract_strided_slice %dot_general3A_14 {offsets = [0, 0], sizes = [64, 1024], strides = [1, 1]} : vector<64x2048xf32> to vector<64x1024xf32>
      %slice3A_15 = vector.extract_strided_slice %dot_general3A_14 {offsets = [0, 1024], sizes = [64, 1024], strides = [1, 1]} : vector<64x2048xf32> to vector<64x1024xf32>
      %neg3A = arith.constant 0.000000e+00 : f32
      %neg3A_16 = vector.broadcast %neg3A : f32 to vector<64x1024xf32>
      %neg3A_17 = arith.subf %neg3A_16, %slice3A : vector<64x1024xf32>
      %exp3A = math.exp %neg3A_17 : vector<64x1024xf32>
      %add3A = arith.constant 1.000000e+00 : f32
      %add3A_18 = vector.broadcast %add3A : f32 to vector<64x1024xf32>
      %add3A_19 = arith.addf %add3A_18, %exp3A : vector<64x1024xf32>
      %div3A = arith.constant 1.000000e+00 : f32
      %div3A_20 = vector.broadcast %div3A : f32 to vector<64x1024xf32>
      %div3A_21 = arith.divf %div3A_20, %add3A_19 : vector<64x1024xf32>
      %mul3A = arith.mulf %slice3A, %div3A_21 : vector<64x1024xf32>
      %mul3A_22 = arith.mulf %mul3A, %slice3A_15 : vector<64x1024xf32>
      %get3A_23 = arith.constant 0 : index
      %get3A_24 = arith.constant 0 : index
      %get3A_25 = arith.constant 0 : index
      %get3A_26 = vector.load %arg5[%get3A_23, %get3A_24, %get3A_25] : memref<1x1024x1024xf32, #tpu.memory_space<vmem>>, vector<1x1024x1024xf32>
      %get3A_27 = vector.shape_cast %get3A_26 : vector<1x1024x1024xf32> to vector<1024x1024xf32>
      %dot_general3A_28 = arith.constant dense<0.000000e+00> : vector<64x1024xf32>
      %dot_general3A_29 = tpu.matmul %mul3A_22, %get3A_27, %dot_general3A_28 {dimension_numbers = #tpu.dot_dimension_numbers<[1], [1], [0], [0], [0, 0, 1, 0], [], []>, transpose_lhs_hint = false} : vector<64x1024xf32>, vector<1024x1024xf32>, vector<64x1024xf32> -> vector<64x1024xf32>
      %iota3A = tpu.iota {dimensions = array<i32: 0>} : vector<64x1xi32>
      %eq3A_30 = vector.broadcast %arg0 : i32 to vector<64x1xi32>
      %eq3A_31 = arith.cmpi eq, %iota3A, %eq3A_30 : vector<64x1xi32>
      %convert_element_type3A_32 = arith.extui %eq3A_31 : vector<64x1xi1> to vector<64x1xi32>
      %convert_element_type3A_33 = arith.sitofp %convert_element_type3A_32 : vector<64x1xi32> to vector<64x1xf32>
      %get3A_34 = arith.constant 0 : index
      %get3A_35 = arith.constant 0 : index
      %get3A_36 = vector.load %arg6[%get3A_34, %get3A_35] : memref<64x64xf32, #tpu.memory_space<vmem>>, vector<64x64xf32>
      %dot_general3A_37 = arith.constant dense<0.000000e+00> : vector<64x1xf32>
      %dot_general3A_38 = tpu.matmul %get3A_36, %convert_element_type3A_33, %dot_general3A_37 {dimension_numbers = #tpu.dot_dimension_numbers<[1], [0], [0], [1], [0, 0, 1, 1], [], []>, precision = #tpu.contract_precision<fp32>, transpose_lhs_hint = false} : vector<64x64xf32>, vector<64x1xf32>, vector<64x1xf32> -> vector<64x1xf32>
      %get3A_39 = arith.constant 0 : index
      %get3A_40 = arith.constant 0 : index
      %get3A_41 = vector.load %arg7[%get3A_39, %get3A_40] : memref<64x1024xf32, #tpu.memory_space<vmem>>, vector<64x1024xf32>
      %mul3A_42 = vector.broadcast %dot_general3A_38 : vector<64x1xf32> to vector<64x1024xf32>
      %mul3A_43 = arith.mulf %dot_general3A_29, %mul3A_42 : vector<64x1024xf32>
      %add3A_44 = arith.addf %get3A_41, %mul3A_43 : vector<64x1024xf32>
      %swap3A = arith.constant 0 : index
      %swap3A_45 = arith.constant 0 : index
      %swap3A_46 = vector.load %arg7[%swap3A, %swap3A_45] : memref<64x1024xf32, #tpu.memory_space<vmem>>, vector<64x1024xf32>
      tpu.vector_store %arg7[%swap3A, %swap3A_45], %add3A_44 {strides = array<i32>} : memref<64x1024xf32, #tpu.memory_space<vmem>>, vector<64x1024xf32>,
    } else {
    }
    return
  }
  func.func @transform_0(%arg0: i32, %arg1: memref<64xi32, #tpu.memory_space<smem>>, %arg2: memref<16xi32, #tpu.memory_space<smem>>) -> (i32, i32) {
    %c0_i32 = arith.constant 0 : i32
    %c0_i32_0 = arith.constant 0 : i32
    %c0_i32_1 = arith.constant 0 : i32
    return %c0_i32, %c0_i32_0 : i32, i32
  }
  func.func @transform_1(%arg0: i32, %arg1: memref<64xi32, #tpu.memory_space<smem>>, %arg2: memref<16xi32, #tpu.memory_space<smem>>) -> (i32, i32, i32) {
    %get3A = arith.constant 0 : index
    %get3A_0 = memref.load %arg2[%get3A] : memref<16xi32, #tpu.memory_space<smem>>
    %sub3A = arith.constant 1 : i32
    %sub3A_1 = arith.subi %get3A_0, %sub3A : i32
    %min3A = arith.minsi %arg0, %sub3A_1 : i32
    %get3A_2 = arith.index_cast %min3A : i32 to index
    %get3A_3 = memref.load %arg1[%get3A_2] : memref<64xi32, #tpu.memory_space<smem>>
    %c0_i32 = arith.constant 0 : i32
    %c0_i32_4 = arith.constant 0 : i32
    %c0_i32_5 = arith.constant 0 : i32
    return %get3A_3, %c0_i32, %c0_i32_4 : i32, i32, i32
  }
  func.func @transform_2(%arg0: i32, %arg1: memref<64xi32, #tpu.memory_space<smem>>, %arg2: memref<16xi32, #tpu.memory_space<smem>>) -> (i32, i32, i32) {
    %get3A = arith.constant 0 : index
    %get3A_0 = memref.load %arg2[%get3A] : memref<16xi32, #tpu.memory_space<smem>>
    %sub3A = arith.constant 1 : i32
    %sub3A_1 = arith.subi %get3A_0, %sub3A : i32
    %min3A = arith.minsi %arg0, %sub3A_1 : i32
    %get3A_2 = arith.index_cast %min3A : i32 to index
    %get3A_3 = memref.load %arg1[%get3A_2] : memref<64xi32, #tpu.memory_space<smem>>
    %c0_i32 = arith.constant 0 : i32
    %c0_i32_4 = arith.constant 0 : i32
    %c0_i32_5 = arith.constant 0 : i32
    return %get3A_3, %c0_i32, %c0_i32_4 : i32, i32, i32
  }
  func.func @transform_3(%arg0: i32, %arg1: memref<64xi32, #tpu.memory_space<smem>>, %arg2: memref<16xi32, #tpu.memory_space<smem>>) -> (i32, i32) {
    %c0_i32 = arith.constant 0 : i32
    %c0_i32_0 = arith.constant 0 : i32
    %c0_i32_1 = arith.constant 0 : i32
    return %c0_i32, %c0_i32_0 : i32, i32
  }
  func.func @transform_4(%arg0: i32, %arg1: memref<64xi32, #tpu.memory_space<smem>>, %arg2: memref<16xi32, #tpu.memory_space<smem>>) -> (i32, i32) {
    %c0_i32 = arith.constant 0 : i32
    %c0_i32_0 = arith.constant 0 : i32
    %c0_i32_1 = arith.constant 0 : i32
    return %c0_i32, %c0_i32_0 : i32, i32
  }
}

</mosaic_0001>

<sc_bundles>
// kernel: kernel.5.cloned.1.call-start
scs
__scs_entry_jumppad:
0x0: {  	(pc) =	sbr.rel $0x88, $3  }
0x1: {  	(tag) =	ssettag $0x0;
	lr =	simm.s32 $0x1  }
0x2: {  	[smem:$0x3F9D] =	sst lr;
	_ =	strace $0xD0000000  }
0x3: {  	_ = 	snop  }
0x4: {  	_ = 	snop  }
0x5: {  	_ = 	snop  }
0x6: {  	_ = 	snop  }
0x7: {  	_ = 	snop  }
__scs_overlays_trampoline_lowered:
0x8: {  	[smem:$0x3FAC] =	sst s0  }
0x9: {  	[smem:$0x3FAD] =	sst s1  }
0xa: {  	[smem:$0x3FAE] =	sst s2  }
0xb: {  	[smem:$0x3FAF] =	sst s3  }
0xc: {  	[smem:$0x3FB0] =	sst s4  }
0xd: {  	[smem:$0x3FB1] =	sst s5  }
0xe: {  	[smem:$0x3FB2] =	sst s6  }
0xf: {  	[smem:$0x3FB3] =	sst s7  }
0x10: {  	[smem:$0x3FB4] =	sst s8  }
0x11: {  	[smem:$0x3FB5] =	sst s9;
	s0 =	simm.s32 @!p0 $0x0  }
0x12: {  	s1 =	sld [smem:$0x3F9B];
	s0 =	simm.s32 @p0 $0x1  }
0x13: {  	[smem:$0x3FB6] =	sst s0;
	s0 =	simm.s32 @!p1 $0x0  }
0x14: {  	s2 =	sld [smem:$0x3F9A];
	s0 =	simm.s32 @p1 $0x1  }
0x15: {  	[smem:$0x3FB7] =	sst s0;
	s0 =	simm.s32 @!p2 $0x0  }
0x16: {  	s3 =	sld [smem:$0x3FDB];
	s0 =	simm.s32 @p2 $0x1  }
0x17: {  	s4 =	simm.s32 $0x1BF5;
	[smem:$0x3FB9] =	sst s0  }
0x18: {  	s0 =	sld [smem:$0x3F9C];
	_ =	swait.ge [sflag:s4], $0x0  }
0x19: {  	s7 =	sld [smem:$0x3F9D]  }
0x1a: {  	s8 =	sadd.s32 $0xFFFFE003, lr  }
0x1b: {  	s9 =	sadd.s32 $0xFFFFFEF7, lr;
	s5 =	simm.s32 $0xFFFFFFFF;
	p2 =	slt.u32 s8, $0xFFFFF086  }
0x1c: {  	p1 =	slt.u32 s9, $0xF7A;
	s5 =	simm.s32 @!p2 $0x0  }
0x1d: {  	s5 =	simm.s32 @p1 $0x1;
	p0 =	seq.s32 s7, s2  }
0x1e: {  	s7 =	smul.u32 @!p0 $0xF7A, s2;
	p2 =	seq.s32 @!p0 s5, $0x0  }
0x1f: {  	s9 =	smul.u32 $0xF7A, s1;
	s8 =	simm.s32 @!p0 $0x1BF5;
	p2 =	por !p2, p0  }
0x20: {  	[sflag:s8] =	ssyncset.s32 @!p0 $0xFFFFF086;
	s6 =	sadd.s32 @!p0 s3, s7;
	s7 =	simm.s32 @!p0 $0x108  }
0x21: {  	s3 =	sadd.s32 s3, s9;
	s6 =	sadd.s32 @!p0 $0x88, s6;
	s7 =	simm.s32 @p2 $0x1082  }
0x22: {  	[simem:s7], [sflag:s8] =	dma.local @!p0 [hbm:s6], $0xF7A  }
0x23: {  	s9 =	sor.u32 $0xD0000000, s2;
	s6 =	simm.s32 $0x108;
	_ =	swait.ge @!p0 [sflag:s8], $0x0  }
0x24: {  	s3 =	sadd.s32 $0x88, s3;
	s6 =	simm.s32 @!p1 $0x1082;
	[sflag:s4] =	ssyncset.s32 $0xFFFFF086  }
0x25: {  	[simem:s6], [sflag:s4] =	dma.local [hbm:s3], $0xF7A  }
0x26: {  	[smem:$0x3F9D] =	sst s1;
	(tag) =	ssettag s2;
	_ =	strace s9  }
0x27: {  	s1 =	sld [smem:$0x3FAD]  }
0x28: {  	s2 =	sld [smem:$0x3FAE]  }
0x29: {  	s4 =	sld [smem:$0x3FB0]  }
0x2a: {  	p0 =	seq.s32 s5, $0x0;
	s5 =	sld [smem:$0x3FB1]  }
0x2b: {  	s6 =	sld [smem:$0x3FB2]  }
0x2c: {  	s7 =	sld [smem:$0x3FB3]  }
0x2d: {  	s3 =	simm.s32 $0x108;
	s8 =	sld [smem:$0x3FB4]  }
0x2e: {  	s3 =	simm.s32 @!p0 $0x1082;
	s9 =	sld [smem:$0x3FB5]  }
0x2f: {  	lr =	sadd.s32 s0, s3;
	s0 =	sld [smem:$0x3FAC]  }
0x30: {  	s3 =	sld [smem:$0x3FAF]  }
0x31: {  	[smem:$0x3FB8] =	sst s10  }
0x32: {  	s10 =	sld [smem:$0x3FB6];
	_ =	sdelay $0x3  }
0x33: {  	p0 =	seq.s32 s10, $0x1;
	s10 =	sld [smem:$0x3FB8];
	_ =	sdelay $0x3  }
0x34: {  	[smem:$0x3FB8] =	sst s10  }
0x35: {  	s10 =	sld [smem:$0x3FB7];
	_ =	sdelay $0x3  }
0x36: {  	p1 =	seq.s32 s10, $0x1;
	s10 =	sld [smem:$0x3FB8];
	_ =	sdelay $0x3  }
0x37: {  	[smem:$0x3FB8] =	sst s10  }
0x38: {  	s10 =	sld [smem:$0x3FB9]  }
0x39: {  	_ = 	snop;
	(pc) =	sbr.ind lr, $3  }
0x3a: {  	_ = 	snop  }
0x3b: {  	_ = 	snop  }
0x3c: {  	p2 =	seq.s32 s10, $0x1;
	s10 =	sld [smem:$0x3FB8]  }
0x3d: {  	_ =	shalt  }
0x3e: {  	_ =	shalt  }
0x3f: {  	_ =	shalt  }
0x40: {  	_ =	shalt  }
0x41: {  	_ =	shalt  }
0x42: {  	_ =	shalt  }
0x43: {  	_ =	shalt  }
0x44: {  	_ =	shalt  }
0x45: {  	_ =	shalt  }
0x46: {  	_ =	shalt  }
0x47: {  	_ =	shalt  }
0x48: {  	_ =	shalt  }
0x49: {  	_ =	shalt  }
0x4a: {  	_ =	shalt  }
0x4b: {  	_ =	shalt  }
0x4c: {  	_ =	shalt  }
0x4d: {  	_ =	shalt  }
0x4e: {  	_ =	shalt  }
0x4f: {  	_ =	shalt  }
0x50: {  	_ =	shalt  }
0x51: {  	_ =	shalt  }
0x52: {  	_ =	shalt  }
0x53: {  	_ =	shalt  }
0x54: {  	_ =	shalt  }
0x55: {  	_ =	shalt  }
0x56: {  	_ =	shalt  }
0x57: {  	_ =	shalt  }
0x58: {  	_ =	shalt  }
0x59: {  	_ =	shalt  }
0x5a: {  	_ =	shalt  }
0x5b: {  	_ =	shalt  }
0x5c: {  	_ =	shalt  }
0x5d: {  	_ =	shalt  }
0x5e: {  	_ =	shalt  }
0x5f: {  	_ =	shalt  }
0x60: {  	_ =	shalt  }
0x61: {  	_ =	shalt  }
0x62: {  	_ =	shalt  }
0x63: {  	_ =	shalt  }
0x64: {  	_ =	shalt  }
0x65: {  	_ =	shalt  }
0x66: {  	_ =	shalt  }
0x67: {  	_ =	shalt  }
0x68: {  	_ =	shalt  }
0x69: {  	_ =	shalt  }
0x6a: {  	_ =	shalt  }
0x6b: {  	_ =	shalt  }
0x6c: {  	_ =	shalt  }
0x6d: {  	_ =	shalt  }
0x6e: {  	_ =	shalt  }
0x6f: {  	_ =	shalt  }
0x70: {  	_ =	shalt  }
0x71: {  	_ =	shalt  }
0x72: {  	_ =	shalt  }
0x73: {  	_ =	shalt  }
0x74: {  	_ =	shalt  }
0x75: {  	_ =	shalt  }
0x76: {  	_ =	shalt  }
0x77: {  	_ =	shalt  }
0x78: {  	_ =	shalt  }
0x79: {  	_ =	shalt  }
0x7a: {  	_ =	shalt  }
0x7b: {  	_ =	shalt  }
0x7c: {  	_ =	shalt  }
0x7d: {  	_ =	shalt  }
0x7e: {  	_ =	shalt  }
0x7f: {  	_ =	shalt  }
0x80: {  	_ =	shalt  }
0x81: {  	_ =	shalt  }
0x82: {  	_ =	shalt  }
0x83: {  	_ =	shalt  }
0x84: {  	_ =	shalt  }
0x85: {  	_ =	shalt  }
0x86: {  	_ =	shalt  }
0x87: {  	_ =	shalt  }
.Lfunc_end0:
.L_simem_size_0:
called_computation_lowered:
.L_overlay_start_0:
0x88: {  	s2 =	sld [smem:$0x3FD9]  }
0x89: {  	s3 =	sld [smem:$0x3FFE];
	_ =	sdelay $0x1  }
0x8a: {  	s1 =	srdreg.scid  }
0x8b: {  	s0 =	sand.u32 $0x1, s1  }
0x8c: {  	s17 =	sshll.u32 s0, $0xA;
	s2 =	sadd.s32 s3, s2  }
0x8d: {  	s2 =	sadd.s32 s2, s17  }
0x8e: {  	[smem:$0x3FC4] =	sst s2  }
0x8f: {  	_ = 	snop  }
0x90: {  	s2 =	sld [smem:$0x3FD0];
	(tm) =	ssettm $0x1  }
0x91: {  	s18 =	sld [smem:$0x3FFB];
	_ =	sdelay $0x3  }
0x92: {  	_ =	strace s18  }
0x93: {  	s3 =	sld [smem:$0x3FFC];
	_ =	sdelay $0x3  }
0x94: {  	_ =	strace s3  }
0x95: {  	s3 =	sld [smem:$0x3FFD];
	_ =	sdelay $0x3  }
0x96: {  	_ =	strace s3  }
0x97: {  	_ =	strace $0x8FFFFFFF  }
0x98: {  	s19 =	sld [smem:$0x3FDB];
	_ =	sdelay $0x1  }
0x99: {  	s4 =	simm.s32 $_scs_section_size  }
0x9a: {  	s5 =	simm.s32 $_size__tile_overlayer_lowered;
	s6 =	simm.s32 $_tile_overlayer_lowered  }
0x9b: {  	s22 =	simm.s32 $0x1BFF;
	s21 =	sshll.u32 s6, $0x1;
	s3 =	sadd.s32 s4, s19  }
0x9c: {  	s7 =	simm.s32 $0x0;
	s20 =	sshll.u32 s5, $0x1;
	s5 =	sadd.s32 s21, s3  }
0x9d: {  	[timem:s7], [sflag:s22] =	dma.local [hbm:s5], s20  }
0x9e: {  	_ =	swait.ge [sflag:s22], s20  }
0x9f: {  	s4 =	ssub.s32 $0x0, s20;
	[sflag:s22] =	ssyncset.done $0x0  }
0xa0: {  	[sflag:s22] =	ssyncadd.s32 s4;
	_ =	sdelay $0x1  }
0xa1: {  	s23 =	simm.s32 $0x1B8B  }
0xa2: {  	_ =	swait.ge [sflag:s23], $0x1  }
0xa3: {  	[sflag:s23] =	ssyncset.done $0x0  }
0xa4: {  	s25 =	simm.s32 $0x1B8E;
	s24 =	sld [smem:$0x3FFE];
	[sflag:s23] =	ssyncadd.s32 $0xFFFFFFFF  }
0xa5: {  	s26 =	simm.s32 $execute0_lowered;
	[smem:$0x3FD2] =	sst s25  }
0xa6: {  	s5 =	sshll.u32 s26, $0x1;
	_ =	strace $0x80000046;
	[dreg:$0x1] =	wrdreg $0xFFFFFFFF  }
0xa7: {  	s28 =	simm.s32 $_size_execute0_lowered;
	s3 =	sadd.s32 s3, s5;
	[dreg:$0x0] =	wrdreg $0x0  }
0xa8: {  	s5 =	sshll.u32 s28, $0x1;
	[dreg:$0x2] =	wrdreg s3  }
0xa9: {  	[dreg:$0x3] =	wrdreg s5  }
0xaa: {  	[dreg:$0x4] =	wrdreg $0xC0  }
0xab: {  	_ =	task [dreg:s7], $0x5FFFF  }
0xac: {  	[dreg:$0x1] =	wrdreg $0xFFFFFFFF  }
0xad: {  	[dreg:$0x0] =	wrdreg $0x60  }
0xae: {  	[dreg:$0x2] =	wrdreg s2  }
0xaf: {  	[dreg:$0x3] =	wrdreg s24  }
0xb0: {  	[dreg:$0x4] =	wrdreg $0x9  }
0xb1: {  	_ =	task.clear_ibuf [dreg:s7], $0x5FFFF;
	_ =	strace $0x90000046  }
0xb2: {  	s29 =	simm.s32 $0x9;
	_ =	strace $0x80000048  }
0xb3: {  	_ =	swait.ge [sflag:s29], $0x1  }
0xb4: {  	[sflag:s29] =	ssyncadd.s32 $0xFFFFFFFF  }
0xb5: {  	_ =	strace $0x90000048  }
0xb6: {  	_ =	sfence  }
0xb7: {  	s30 =	sld [smem:$0x0];
	_ =	sdelay $0x2  }
0xb8: {  	s31 =	sshll.u32 s1, $0xD;
	s1 =	sshrl.u32 s1, $0x2  }
0xb9: {  	s3 =	sand.u32 $0x4000, s31;
	s1 =	sadd.s32 s1, s30  }
0xba: {  	s0 =	sor.u32 s3, s0;
	s1 =	sshll.u32 s1, $0x11  }
0xbb: {  	s0 =	sor.u32 s1, s0  }
0xbc: {  	s0 =	sadd.s32 $0x8F2B, s0  }
0xbd: {  	[sflag:s0] =	ssyncadd.remote.s32 $0x1  }
0xbe: {  	_ =	sfence.sel $0xFFFF  }
0xbf: {  	[dreg:$0x0] =	wrdreg $0xFFFFFFFF;
	(pc) =	sbr.abs _section_cstart, $3  }
0xc0: {  	[dreg:$0x1] =	wrdreg $0xFFFFFFFF  }
0xc1: {  	_ =	task.clear_ibuf [dreg:s7], $0x2FFFF;
	_ =	strace $0x9FFFFFFF  }
0xc2: {  	(tm) =	ssettm $0x7FFFFFFF  }
0xc3: {  	_ =	shalt  }
tec
execute0_lowered:
.L_overlay_start_1:
0x0: {  	(tag) =	ssettag $0x1  }
0x1: {  	s0 =	srdreg.scid  }
0x2: {  	s4 =	sand.u32 $0x1, s0;
	s0 =	stileid.u32  }
0x3: {  	s3 =	sor.u32 s0, s4  }
0x4: {  	p0 =	sne.s32 s3, $0x0  }
.Ltmp0:
0x5: {  	_ = 	snop;
	(pc) =	sbr.rel @p0 .LBB2_7-.Ltmp0, $4  }
0x6: {  	_ = 	snop  }
0x7: {  	s2 =	rddreg [dreg:$0x0]  }
0x8: {  	s5 =	rddreg [dreg:$0x1]  }
0x9: {  	s1 =	rddreg [dreg:$0x2];
	_ =	strace $0x80000047  }
0xa: {  	s3 =	sadd.s32 $0x1600, s5;
	s6 =	ssub.s32 $0x2, s4  }
0xb: {  	s4 =	sadd.s32 $0x1A00, s5;
	s5 =	sadd.s32 $0x1C00, s5;
	s8 =	simm.s32 $0x1  }
0xc: {  	v0 =	vlaneseq.u32;
	v2 =	vimm.f32 $0.0e+00;
	s9 =	simm.s32 $0x0;
	s10 =	simm.s32 $0x4000;
	s11 =	simm.s32 $0x4100  }
0xd: {  	v6 =	vimm.f32 $1.000000000e+00;
	v7 =	vimm.s32 $0x0;
	s12 =	simm.s32 $0x4180;
	s13 =	simm.s32 $0x4080;
	s14 =	simm.s32 $0x2000;
	v1 =	vmul.u32 $0x80, v0  }
0xe: {  	s15 =	simm.s32 $0x4;
	s16 =	simm.s32 $0x2;
	s7 =	sshrl.u32 s6, $0x1;
	v8 =	vor.u32 $0x10, v0;
	v9 =	vor.u32 $0x20, v0;
	v10 =	vor.u32 $0x30, v0  }
0xf: {  	s17 =	simm.s32 $0x3;
	s6 =	ssub.s32 s6, s7;
	s7 =	simm.s32 $0x0;
	v3 =	vor.u32 $0x800, v1;
	v4 =	vor.u32 $0x1000, v1;
	v5 =	vor.u32 $0x1800, v1  }
.LBB2_2:
0x10: {  	[tilespmem:s9], [sflag:$0x1] =	stream.linear.gather [hbm4b:s2+s9], $0x2000, $0x38;
	[tilespmem:$0x4200] =	vst v63  }
0x11: {  	[tilespmem:$0x4000] =	vst v2  }
0x12: {  	[tilespmem:$0x4010] =	vst v2  }
0x13: {  	[tilespmem:$0x4020] =	vst v2  }
0x14: {  	s18 =	simm.s32 $0x200;
	s19 =	simm.s32 $0x0;
	[tilespmem:$0x4030] =	vst v2  }
.LBB2_3:
0x15: {  	p0 =	sne.s32 s18, $0x7E00;
	[tilespmem:s19+$0x2030] =	vst v2;
	s20 =	smov.u32 s18;
	s18 =	sadd.s32 $0x200, s18  }
.Ltmp1:
0x16: {  	[tilespmem:s19+$0x2020] =	vst v2;
	(pc) =	sbr.rel @p0 .LBB2_3-.Ltmp1, $3  }
0x17: {  	[tilespmem:s19+$0x2000] =	vst v2  }
0x18: {  	[tilespmem:s19+$0x2010] =	vst v2;
	_ =	sdelay $0x1  }
0x19: {  	s19 =	sshra.s32 s20, $0x2  }
0x1a: {  	[tilespmem:s19+$0x2030] =	vst v2  }
0x1b: {  	[tilespmem:s19+$0x2020] =	vst v2;
	s18 =	simm.s32 $0x0  }
0x1c: {  	[tilespmem:s19+$0x2000] =	vst v2;
	v11 =	vor.u32 s18, v5  }
0x1d: {  	[tilespmem:s19+$0x2010] =	vst v2;
	v12 =	vor.u32 s18, v1  }
0x1e: {  	_ =	swait.ge [sflag:s8], $0x2000;
	v13 =	vor.u32 s18, v3  }
0x1f: {  	v14 =	vor.u32 s18, v4;
	[sflag:s8] =	ssyncset.done $0x0  }
0x20: {  	[sflag:s8] =	ssyncadd.s32 $0xFFFFE000  }
0x21: {  	v25 =	vld.idx.msk [tilespmem:v11+s9+$0x0], $0xffff  }
0x22: {  	v18 =	vld.idx.msk [tilespmem:v12+s9+$0x0], $0xffff  }
0x23: {  	v23 =	vimm.f32 $-Inf;
	v21 =	vld.idx.msk [tilespmem:v13+s9+$0x0], $0xffff  }
0x24: {  	v26 =	vimm.f32 $-Inf;
	v30 =	vimm.s32 $0x0;
	v17 =	vimm.s32 $0x0;
	v16 =	vld.idx.msk [tilespmem:v14+s9+$0x0], $0xffff  }
0x25: {  	s19 =	simm.s32 $0x1;
	v15 =	vimm.s32 $0x0;
	v22 =	vimm.s32 $0x0;
	v29 =	vimm.s32 $0x0  }
0x26: {  	v24 =	vimm.f32 $-Inf;
	v20 =	vimm.s32 $0x0;
	v27 =	vor.u32 s19, v3  }
0x27: {  	v19 =	vor.u32 s19, v4;
	v28 =	vor.u32 s19, v5;
	v14 =	vimm.f32 $-Inf  }
0x28: {  	v13 =	vimm.s32 $0x0;
	v12 =	vor.u32 s19, v1;
	vm2 =	vgt.f32 v18, v14  }
0x29: {  	vm3 =	vgt.f32 v21, v14;
	vm0 =	vgt.f32 v16, v14;
	vm1 =	vgt.f32 v25, v14  }
0x2a: {  	vm4 =	vgt.f32 v21, v14;
	vm5 =	vgt.f32 v16, v14;
	vm6 =	vgt.f32 v25, v14  }
0x2b: {  	v11 =	vsel vm2, v18, v14;
	v31 =	vsel vm2, s18, v13;
	v33 =	vsel vm4, v21, v14  }
0x2c: {  	s20 =	simm.s32 $0x2;
	v34 =	vsel vm5, v16, v14;
	v32 =	vsel vm6, v25, v14;
	v11 =	vsel vm2, v14, v11  }
.LBB2_5:
0x2d: {  	p0 =	sne.s32 s20, $0x3F;
	v35 =	vld.idx.msk [tilespmem:v28+s9+$0x0], $0xffff;
	v33 =	vsel vm3, v14, v33;
	v34 =	vsel vm0, v23, v34;
	v32 =	vsel vm1, v26, v32  }
0x2e: {  	v28 =	vsel vm6, s18, v30;
	v26 =	vsel vm1, v25, v26;
	v36 =	vld.idx.msk [tilespmem:v12+s9+$0x0], $0xffff;
	v12 =	vsel vm5, s18, v13  }
0x2f: {  	v23 =	vsel vm0, v16, v23;
	v30 =	vsel vm1, v15, v28;
	v37 =	vld.idx.msk [tilespmem:v27+s9+$0x0], $0xffff;
	v13 =	vsel vm0, v17, v12  }
0x30: {  	v31 =	vsel vm2, v22, v31;
	v14 =	vsel vm3, v21, v14;
	v12 =	vsel vm4, s18, v29;
	v16 =	vld.idx.msk [tilespmem:v19+s9+$0x0], $0xffff  }
0x31: {  	v24 =	vsel vm2, v18, v24;
	v22 =	vsel vm2, s18, v22;
	v29 =	vsel vm3, v20, v12  }
0x32: {  	v15 =	vsel vm1, s18, v15;
	v17 =	vsel vm0, s18, v17;
	v20 =	vsel vm3, s18, v20;
	s18 =	smov.u32 s19;
	s19 =	smov.u32 s20  }
0x33: {  	v28 =	vor.u32 s20, v5;
	v27 =	vor.u32 s20, v3;
	v19 =	vor.u32 s20, v4;
	v25 =	vmovc v35  }
.Ltmp2:
0x34: {  	v12 =	vor.u32 s20, v1;
	vm2 =	vgt.f32 v36, v24;
	vm0 =	vgt.f32 v36, v11;
	v18 =	vmovc v36;
	(pc) =	sbr.rel @p0 .LBB2_5-.Ltmp2, $4  }
0x35: {  	v11 =	vsel vm0, v18, v11;
	v31 =	vsel vm0, s18, v31;
	vm3 =	vgt.f32 v37, v14;
	v21 =	vmovc v37  }
0x36: {  	vm1 =	vgt.f32 v25, v26;
	v11 =	vsel vm2, v24, v11;
	vm0 =	vgt.f32 v16, v23  }
0x37: {  	vm6 =	vgt.f32 v25, v32;
	vm4 =	vgt.f32 v21, v33;
	vm5 =	vgt.f32 v16, v34  }
0x38: {  	s20 =	sadd.s32 $0x1, s20;
	v32 =	vsel vm6, v25, v32;
	v33 =	vsel vm4, v21, v33;
	v34 =	vsel vm5, v16, v34  }
0x39: {  	_ =	sdelay $0x3  }
0x3a: {  	v33 =	vsel vm3, v14, v33;
	v34 =	vsel vm0, v23, v34;
	v35 =	vld.idx.msk [tilespmem:v12+s9+$0x0], $0xffff  }
0x3b: {  	v12 =	vsel vm1, v26, v32;
	v54 =	vsel vm5, s18, v13;
	v30 =	vsel vm6, s18, v30  }
0x3c: {  	v55 =	vsel vm1, v25, v26;
	v56 =	vld.idx.msk [tilespmem:v27+s9+$0x0], $0xffff;
	v16 =	vsel vm0, v16, v23;
	v59 =	vsel vm2, v22, v31  }
0x3d: {  	v29 =	vsel vm4, s18, v29;
	v21 =	vsel vm3, v21, v14;
	v18 =	vsel vm2, v18, v24  }
0x3e: {  	v19 =	vld.idx.msk [tilespmem:v19+s9+$0x0], $0xffff;
	v60 =	vsel vm2, s18, v22;
	v63 =	vsel vm3, s18, v20;
	v36 =	vsel vm0, s18, v17  }
0x3f: {  	v61 =	vld.idx.msk [tilespmem:v28+s9+$0x0], $0xffff;
	v57 =	vsel vm0, v17, v54;
	vm6 =	vgt.f32 v35, v18;
	vm7 =	vgt.f32 v35, v11  }
0x40: {  	v62 =	vsel vm3, v20, v29;
	v27 =	vsel vm7, s19, v59;
	v32 =	vsel vm6, s19, v60  }
0x41: {  	vm4 =	vgt.f32 v56, v21;
	vm5 =	vgt.f32 v56, v33;
	v22 =	vsel vm6, v60, v27  }
0x42: {  	v58 =	vsel vm1, v15, v30;
	v24 =	vsel vm5, s19, v62;
	v37 =	vsel vm4, s19, v63  }
0x43: {  	vm2 =	vgt.f32 v19, v16;
	vm3 =	vgt.f32 v19, v34;
	v20 =	vsel vm4, v63, v24  }
0x44: {  	vm0 =	vgt.f32 v61, v55;
	v38 =	vsel vm3, s19, v57;
	v39 =	vsel vm2, s19, v36  }
0x45: {  	v40 =	vsel vm1, s18, v15;
	vm12 =	vgt.f32 v61, v12;
	v17 =	vsel vm2, v36, v38;
	[tilespmem:v32+s10+$0x0] =	vst.idx.msk $0xffff, v6  }
0x46: {  	v23 =	vsel vm12, s19, v58;
	v15 =	vsel vm0, s19, v40;
	[tilespmem:v22+s10+$0x0] =	vst.idx.msk $0xffff, v6  }
0x47: {  	v23 =	vsel vm0, v40, v23;
	[tilespmem:v37+s10+$0x0] =	vst.idx.msk $0xffff, v6  }
0x48: {  	[tilespmem:v20+s10+$0x0] =	vst.idx.msk $0xffff, v6  }
0x49: {  	[tilespmem:v39+s10+$0x0] =	vst.idx.msk $0xffff, v6  }
0x4a: {  	[tilespmem:v17+s10+$0x0] =	vst.idx.msk $0xffff, v6  }
0x4b: {  	[tilespmem:v15+s10+$0x0] =	vst.idx.msk $0xffff, v6  }
0x4c: {  	[tilespmem:v23+s10+$0x0] =	vst.idx.msk $0xffff, v6  }
0x4d: {  	v41 =	vld [tilespmem:$0x4000];
	_ =	sdelay $0x4  }
0x4e: {  	vm8 =	vgt.f32 v41, $0.0e+00  }
0x4f: {  	v24 =	vsel vm8, $0x3F800000, v7  }
0x50: {  	(xrf2) =	vadd.scan.msk.f32 $0xffff, v24;
	_ =	sdelay $0x9  }
0x51: {  	v42, _, _ =	vpop (xrf2)  }
0x52: {  	v24 =	vsub.f32 v42, v24;
	_ =	sdelay $0x1  }
0x53: {  	v24 =	vtrunc.f32 v24  }
0x54: {  	v24 =	vcvt.f32.s32 v24;
	_ =	sdelay $0x4  }
0x55: {  	[tilespmem:$0x4080] =	vst v24  }
0x56: {  	[tilespmem:v24+s11+$0x0] =	vst.idx.msk vm8, v0  }
0x57: {  	v24 =	vld [tilespmem:$0x4010];
	_ =	sdelay $0x1  }
0x58: {  	(v2sf) =	vpush v42, $0xF;
	_ =	sdelay $0x2  }
0x59: {  	vm13 =	vgt.f32 v24, $0.0e+00  }
0x5a: {  	v24 =	vsel vm13, $0x3F800000, v7  }
0x5b: {  	(xrf2) =	vadd.scan.msk.f32 $0xffff, v24;
	_ =	sdelay $0x9  }
0x5c: {  	s28 =	spop (v2sf);
	v43, _, _ =	vpop (xrf2)  }
0x5d: {  	s18 =	sadd.f32 $0.0e+00, s28;
	v24 =	vsub.f32 v43, v24;
	_ =	sdelay $0x1  }
0x5e: {  	v24 =	vadd.f32 s18, v24;
	_ =	sdelay $0x1  }
0x5f: {  	v24 =	vtrunc.f32 v24  }
0x60: {  	v24 =	vcvt.f32.s32 v24;
	_ =	sdelay $0x4  }
0x61: {  	[tilespmem:$0x4090] =	vst v24  }
0x62: {  	[tilespmem:v24+s11+$0x0] =	vst.idx.msk vm13, v8  }
0x63: {  	v24 =	vld [tilespmem:$0x4020];
	_ =	sdelay $0x1  }
0x64: {  	(v2sf) =	vpush v43, $0xF;
	_ =	sdelay $0x2  }
0x65: {  	vm14 =	vgt.f32 v24, $0.0e+00  }
0x66: {  	v24 =	vsel vm14, $0x3F800000, v7  }
0x67: {  	(xrf2) =	vadd.scan.msk.f32 $0xffff, v24;
	_ =	sdelay $0x9  }
0x68: {  	s29 =	spop (v2sf);
	v44, _, _ =	vpop (xrf2)  }
0x69: {  	s18 =	sadd.f32 s29, s18;
	v24 =	vsub.f32 v44, v24;
	_ =	sdelay $0x1  }
0x6a: {  	v24 =	vadd.f32 s18, v24;
	_ =	sdelay $0x1  }
0x6b: {  	v24 =	vtrunc.f32 v24  }
0x6c: {  	v24 =	vcvt.f32.s32 v24;
	_ =	sdelay $0x4  }
0x6d: {  	[tilespmem:$0x40A0] =	vst v24  }
0x6e: {  	[tilespmem:v24+s11+$0x0] =	vst.idx.msk vm14, v9  }
0x6f: {  	v24 =	vld [tilespmem:$0x4030];
	_ =	sdelay $0x4  }
0x70: {  	vm15 =	vgt.f32 v24, $0.0e+00  }
0x71: {  	v24 =	vsel vm15, $0x3F800000, v7  }
0x72: {  	(xrf2) =	vadd.scan.msk.f32 $0xffff, v24;
	_ =	sdelay $0x3  }
0x73: {  	(v2sf) =	vpush v44, $0xF;
	_ =	sdelay $0x5  }
0x74: {  	v45, _, _ =	vpop (xrf2)  }
0x75: {  	(v2sf) =	vpush v45, $0xF;
	_ =	sdelay $0x2  }
0x76: {  	v11 =	vsel vm7, v35, v11  }
0x77: {  	v11 =	vsel vm6, v18, v11;
	v18 =	vsel vm6, v35, v18  }
0x78: {  	v11 =	vsub.f32 v11, v18;
	_ =	sdelay $0x1  }
0x79: {  	v11 =	vmul.f32 $1.442695020e+00, v11  }
0x7a: {  	s30 =	spop (v2sf)  }
0x7b: {  	(erf) = vpow2.f32 v11;
	s18 =	sadd.f32 s30, s18;
	v11 =	vsub.f32 v45, v24;
	_ =	sdelay $0x1  }
0x7c: {  	v11 =	vadd.f32 s18, v11;
	_ =	sdelay $0x1  }
0x7d: {  	v11 =	vtrunc.f32 v11  }
0x7e: {  	v11 =	vcvt.f32.s32 v11  }
0x7f: {  	s31 =	spop (v2sf)  }
0x80: {  	v46 =	vsel vm5, v56, v33;
	s18 =	sadd.f32 s31, s18  }
0x81: {  	v18 =	vsel vm4, v21, v46;
	v21 =	vsel vm4, v56, v21  }
0x82: {  	v18 =	vsub.f32 v18, v21;
	v47 =	vpop (erf);
	s18 =	scvt.f32.s32 s18  }
0x83: {  	v48 =	vadd.f32 $1.000000000e+00, v47;
	[tilespmem:$0x40B0] =	vst v11  }
0x84: {  	v18 =	vmul.f32 $1.442695020e+00, v18;
	[tilespmem:v11+s11+$0x0] =	vst.idx.msk vm15, v10;
	v11 =	vmov s18  }
0x85: {  	(erf) = vrcp.f32 v48;
	[tilespmem:$0x4180] =	vst v11  }
0x86: {  	(erf) = vpow2.f32 v18;
	[hbm4b:s4+s9] =	stream.linear.scatter [tilespmem:s11], [sflag:$0x2], $0x80, $0x38;
	[tilespmem:$0x4200] =	vst v63  }
0x87: {  	_ = 	snop  }
0x88: {  	[hbm4b:s5+s9] =	stream.linear.scatter [tilespmem:s12], [sflag:$0x3], $0x80, $0x38;
	[tilespmem:$0x4200] =	vst v63  }
0x89: {  	v11 =	vld.idx.msk [tilespmem:v32+s13+$0x0], $0xffff  }
0x8a: {  	v49 =	vld.idx.msk [tilespmem:v22+s13+$0x0], $0xffff;
	_ =	sdelay $0x2  }
0x8b: {  	v50 =	vsel vm3, v19, v34  }
0x8c: {  	v21 =	vsel vm2, v16, v50;
	v16 =	vsel vm2, v19, v16;
	v51 =	vpop (erf);
	v11 =	vadd.s32 v1, v11  }
0x8d: {  	v16 =	vsub.f32 v21, v16;
	v52 =	vpop (erf);
	v18 =	vadd.s32 v1, v49  }
0x8e: {  	v53 =	vadd.f32 $1.000000000e+00, v52  }
0x8f: {  	v16 =	vmul.f32 $1.442695020e+00, v16  }
0x90: {  	(erf) = vrcp.f32 v53;
	v24 =	vmul.f32 v51, v47  }
0x91: {  	(erf) = vpow2.f32 v16;
	[tilespmem:v11+s14+$0x0] =	vst.idx.msk $0xffff, v51  }
0x92: {  	[tilespmem:v18+s14+$0x0] =	vst.idx.msk $0xffff, v24  }
0x93: {  	v11 =	vld.idx.msk [tilespmem:v37+s13+$0x0], $0xffff  }
0x94: {  	v54 =	vld.idx.msk [tilespmem:v20+s13+$0x0], $0xffff;
	_ =	sdelay $0x3  }
0x95: {  	v12 =	vsel vm12, v61, v12;
	v11 =	vadd.s32 v3, v11  }
0x96: {  	v13 =	vsel vm0, v61, v55;
	v12 =	vsel vm0, v55, v12;
	v55 =	vpop (erf);
	v16 =	vadd.s32 v3, v54  }
0x97: {  	v12 =	vsub.f32 v12, v13;
	v56 =	vpop (erf)  }
0x98: {  	v57 =	vadd.f32 $1.000000000e+00, v56  }
0x99: {  	v12 =	vmul.f32 $1.442695020e+00, v12;
	v58 =	vmul.f32 v55, v52  }
0x9a: {  	(erf) = vrcp.f32 v57;
	[tilespmem:v11+s14+$0x0] =	vst.idx.msk $0xffff, v55  }
0x9b: {  	(erf) = vpow2.f32 v12;
	[tilespmem:v16+s14+$0x0] =	vst.idx.msk $0xffff, v58  }
0x9c: {  	v11 =	vld.idx.msk [tilespmem:v39+s13+$0x0], $0xffff  }
0x9d: {  	v59 =	vld.idx.msk [tilespmem:v17+s13+$0x0], $0xffff;
	_ =	sdelay $0x3  }
0x9e: {  	v11 =	vadd.s32 v4, v11  }
0x9f: {  	v12 =	vadd.s32 v4, v59  }
0xa0: {  	v13 =	vpop (erf)  }
0xa1: {  	v60 =	vpop (erf)  }
0xa2: {  	v61 =	vmul.f32 v13, v56;
	v62 =	vadd.f32 $1.000000000e+00, v60  }
0xa3: {  	[tilespmem:v11+s14+$0x0] =	vst.idx.msk $0xffff, v13  }
0xa4: {  	(erf) = vrcp.f32 v62;
	[tilespmem:v12+s14+$0x0] =	vst.idx.msk $0xffff, v61  }
0xa5: {  	v11 =	vld.idx.msk [tilespmem:v15+s13+$0x0], $0xffff  }
0xa6: {  	v12 =	vld.idx.msk [tilespmem:v23+s13+$0x0], $0xffff;
	_ =	sdelay $0x3  }
0xa7: {  	v11 =	vadd.s32 v5, v11  }
0xa8: {  	v12 =	vadd.s32 v5, v12;
	_ =	sdelay $0x1  }
0xa9: {  	v63 =	vpop (erf)  }
0xaa: {  	v14 =	vmul.f32 v63, v60  }
0xab: {  	[tilespmem:v11+s14+$0x0] =	vst.idx.msk $0xffff, v63  }
0xac: {  	[tilespmem:v12+s14+$0x0] =	vst.idx.msk $0xffff, v14  }
0xad: {  	[hbm4b:s3+s9] =	stream.linear.scatter [tilespmem:s14], [sflag:$0x4], $0x2000, $0x38;
	[tilespmem:$0x4200] =	vst v63  }
0xae: {  	_ =	swait.ge [sflag:s15], $0x2000  }
0xaf: {  	[sflag:s15] =	ssyncset.done $0x0  }
0xb0: {  	s7 =	sadd.s32 $0x1, s7;
	[sflag:s15] =	ssyncadd.s32 $0xFFFFE000  }
0xb1: {  	p0 =	sne.s32 s7, s6;
	_ =	swait.ge [sflag:s16], $0x80  }
.Ltmp3:
0xb2: {  	[sflag:s16] =	ssyncset.done $0x0;
	(pc) =	sbr.rel @p0 .LBB2_2-.Ltmp3, $4  }
0xb3: {  	[sflag:s16] =	ssyncadd.s32 $0xFFFFFF80  }
0xb4: {  	_ =	swait.ge [sflag:s17], $0x80  }
0xb5: {  	[sflag:s17] =	ssyncset.done $0x0  }
0xb6: {  	[sflag:s17] =	ssyncadd.s32 $0xFFFFFF80  }
.LBB2_7:
0xb7: {  	_ =	sfence.sel $0x180000  }
0xb8: {  	[bflag:$0x0] =	sbarrier.arrive $0xFFFF  }
0xb9: {  	p0 =	sne.s32 s0, $0x0;
	_ =	strace $0x90000047  }
0xba: {  	s0 =	sadd.s32 @!p0 $0x100000, s1;
	[bflag:$0x2] =	sbarrier.arrive $0xFFFF  }
0xbb: {  	[sflag:s0] =	ssyncadd.tile.s32 @!p0 $0x1;
	_ =	shalt  }
.Lfunc_end2:
_tile_overlayer_lowered:
.L_overlay_start_2:
0xbc: {  	(tag) =	ssettag $0x2  }
0xbd: {  	s0 =	rddreg [dreg:$0x0];
	s2 =	stileid.u32  }
0xbe: {  	s1 =	rddreg [dreg:$0x1];
	p0 =	sne.s32 s2, $0x0  }
0xbf: {  	s3 =	rddreg [dreg:$0x2];
	[bflag:$0x3] =	sbarrier.arrive $0xFFFF;
	s2 =	simm.s32 @!p0 $0x1C04  }
0xc0: {  	[timem:s3], [sflag:s2] =	dma.local @!p0 [hbm:s0], s1  }
0xc1: {  	s0 =	simm.s32 @!p0 $0x4  }
0xc2: {  	_ =	swait.ge @!p0 [sflag:s0], s1  }
0xc3: {  	s1 =	ssub.s32 @!p0 $0x0, s1;
	[sflag:s0] =	ssyncset.done @!p0 $0x0  }
0xc4: {  	[sflag:s0] =	ssyncadd.s32 @!p0 s1  }
0xc5: {  	[bflag:$0x3] =	sbarrier.arrive $0xFFFF  }
0xc6: {  	_ =	shalt  }

</sc_bundles>
